<compile_context>
chip_gen: v7x
topology: tpu7x:2x2x1
jax: 0.10.2.dev20260603
libtpu: 0.0.44.dev20260713+nightly
codegen_flags: <defaults>
</compile_context>

<pallas_src>
import functools
import math

import jax
import jax.numpy as jnp
from jax import lax
from jax.experimental import pallas as pl
from jax.experimental.pallas import tpu as pltpu
from jax.experimental.pallas import tpu_sc as plsc

N = 4096
D_SPAN = 3092
KP = 3200
DP = 4096
K_TOP = 50
K_PAD = 64
SENT = float(-1e30)
SENT2 = float(-3e38)

_BM1 = 256
_BN1 = 2048


def _t1_body(span_ref, w_ref, b_ref, out_ref):
    acc = lax.dot_general(
        span_ref[...].astype(jnp.bfloat16), w_ref[...].astype(jnp.bfloat16),
        dimension_numbers=(((1,), (1,)), ((), ())),
        preferred_element_type=jnp.float32,
    )
    out_ref[...] = acc + b_ref[...]


def _t1(span_p, w_p, b_p):
    grid = (DP // _BN1, N // _BM1)
    return pl.pallas_call(
        _t1_body,
        grid=grid,
        in_specs=[
            pl.BlockSpec((_BM1, KP), lambda j, i: (i, 0)),
            pl.BlockSpec((_BN1, KP), lambda j, i: (j, 0)),
            pl.BlockSpec((1, _BN1), lambda j, i: (0, j)),
        ],
        out_specs=pl.BlockSpec((_BM1, _BN1), lambda j, i: (i, j)),
        out_shape=jax.ShapeDtypeStruct((N, DP), jnp.float32),
        compiler_params=pltpu.CompilerParams(
            vmem_limit_bytes=120 * 1024 * 1024),
    )(span_p, w_p, b_p)


_BM2 = 256
_BN2 = 1024
_INV_LOG2 = 1.0 / math.log(2.0)


def _t2_body(src_ref, span_ref, msr_ref, msc_ref, bs_ref, out_ref):
    j = pl.program_id(0)
    i = pl.program_id(1)
    row0 = i * _BM2
    col0 = j * _BN2

    rows = row0 + lax.broadcasted_iota(jnp.int32, (_BM2, _BN2), 0)
    cols = col0 + lax.broadcasted_iota(jnp.int32, (_BM2, _BN2), 1)
    off = rows - cols
    valid = off >= 1

    @pl.when(row0 + _BM2 - 1 >= col0 + 1)
    def _compute():
        acc = lax.dot_general(
            src_ref[...].astype(jnp.bfloat16),
            span_ref[...].astype(jnp.bfloat16),
            dimension_numbers=(((1,), (1,)), ((), ())),
            preferred_element_type=jnp.float32,
        )
        d = jnp.maximum(off.astype(jnp.float32), 1.0)
        lg = jnp.floor(jnp.log(d) * _INV_LOG2).astype(jnp.int32) + 3
        bucket = jnp.clip(jnp.where(off <= 4, off, lg), 0, 9)
        bval = jnp.zeros((_BM2, _BN2), jnp.float32)
        for t in range(10):
            bval = jnp.where(bucket == t, bs_ref[0, t], bval)
        s = (msr_ref[...] + msc_ref[...]) + acc
        s = s + bval
        out_ref[...] = jnp.where(valid, s, SENT)

    @pl.when(row0 + _BM2 - 1 < col0 + 1)
    def _masked():
        out_ref[...] = jnp.full((_BM2, _BN2), SENT, jnp.float32)


def _t2(source_p, span_p, ms_row, ms_col, bs_pad):
    grid = (N // _BN2, N // _BM2)
    return pl.pallas_call(
        _t2_body,
        grid=grid,
        in_specs=[
            pl.BlockSpec((_BM2, KP), lambda j, i: (i, 0)),
            pl.BlockSpec((_BN2, KP), lambda j, i: (j, 0)),
            pl.BlockSpec((_BM2, 1), lambda j, i: (i, 0)),
            pl.BlockSpec((1, _BN2), lambda j, i: (0, j)),
            pl.BlockSpec((1, 128), lambda j, i: (0, 0)),
        ],
        out_specs=pl.BlockSpec((_BM2, _BN2), lambda j, i: (i, j)),
        out_shape=jax.ShapeDtypeStruct((N, N), jnp.float32),
        compiler_params=pltpu.CompilerParams(
            vmem_limit_bytes=120 * 1024 * 1024),
    )(source_p, span_p, ms_row, ms_col, bs_pad)


_NC = 2
_NS = 16
_NW = _NC * _NS
_ROWS_PER_W = N // _NW
_NCHUNK = N // 16


def _sc_topk_body(scores_hbm, idx_hbm, val_hbm, off_hbm, msk_hbm,
                  rbuf_a, rbuf_b, mbuf, m2buf, obi, obs, obo, obm,
                  sem_a, sem_b):
    cid = lax.axis_index("c")
    sid = lax.axis_index("s")
    wid = (sid * _NC + cid).astype(jnp.int32)
    lanes = lax.iota(jnp.int32, 16)
    mask0 = lanes == 0
    neg_inf = jnp.float32(-jnp.inf)

    def process(i, rbuf, slot):
        nvalid = jnp.maximum(i, K_TOP)
        nchunks = (nvalid + 15) // 16
        mcs = (nchunks + 15) // 16

        @pl.loop(0, mcs)
        def _chunkmax(mc):
            starts = mc * 256 + lanes * 16
            mv = plsc.load_gather(rbuf, [starts])
            for l in range(1, 16):
                mv = jnp.maximum(mv, plsc.load_gather(rbuf, [starts + l]))
            plsc.store_scatter(mbuf, [mc * 16 + lanes], mv)
            plsc.store_scatter(m2buf, [jnp.full((16,), mc)],
                               jnp.full((16,), jnp.max(mv)), mask=mask0)

        m2buf[...] = jnp.where(lanes < mcs, m2buf[...], SENT2)

        iv = jnp.full((16,), i)
        slotv = jnp.full((16,), slot)

        @pl.loop(0, K_TOP)
        def _pick(k):
            m2v = m2buf[...]
            gs = jnp.max(m2v)
            gsv = jnp.full((16,), gs)
            gv = plsc.all_reduce_ffs(m2v == gsv)
            mv = plsc.load_gather(mbuf, [gv * 16 + lanes])
            cv = plsc.all_reduce_ffs(mv == gsv)
            base = (gv * 16 + cv) * 16
            vec = plsc.load_gather(rbuf, [base + lanes])
            lv = plsc.all_reduce_ffs(vec == gsv)
            colv = base + lv

            kk = jnp.full((16,), k)
            is_pad = gsv <= SENT
            plsc.store_scatter(obi, [slotv, kk], colv, mask=mask0)
            plsc.store_scatter(obs, [slotv, kk],
                               jnp.where(is_pad, neg_inf, gsv), mask=mask0)
            plsc.store_scatter(obo, [slotv, kk], iv - colv, mask=mask0)
            plsc.store_scatter(obm, [slotv, kk],
                               jnp.where(is_pad, 0, 1).astype(jnp.int32),
                               mask=mask0)

            vec2 = jnp.where(lanes == lv, SENT2, vec)
            plsc.store_scatter(rbuf, [base + lanes], vec2)
            ncm = jnp.full((16,), jnp.max(vec2))
            plsc.store_scatter(mbuf, [gv * 16 + cv], ncm, mask=mask0)
            mv2 = jnp.where(lanes == cv, ncm, mv)
            plsc.store_scatter(m2buf, [gv], jnp.full((16,), jnp.max(mv2)),
                               mask=mask0)

    pltpu.async_copy(scores_hbm.at[wid], rbuf_a, sem_a)

    @pl.loop(0, _ROWS_PER_W // 2)
    def _t(t):
        r0 = 2 * t
        r1 = r0 + 1
        pltpu.async_copy(scores_hbm.at[r1 * _NW + wid], rbuf_b, sem_b)
        pltpu.make_async_copy(scores_hbm.at[0], rbuf_a, sem_a).wait()
        process(r0 * _NW + wid, rbuf_a, r0 % 8)

        @pl.when(r0 + 2 < _ROWS_PER_W)
        def _issue_a():
            pltpu.async_copy(scores_hbm.at[(r0 + 2) * _NW + wid], rbuf_a,
                             sem_a)

        pltpu.make_async_copy(scores_hbm.at[0], rbuf_b, sem_b).wait()
        process(r1 * _NW + wid, rbuf_b, r1 % 8)

        @pl.when(t % 4 == 3)
        def _flush():
            b = pl.multiple_of(r1 - 7, 8)
            pltpu.sync_copy(obi, idx_hbm.at[wid, pl.ds(b, 8)])
            pltpu.sync_copy(obs, val_hbm.at[wid, pl.ds(b, 8)])
            pltpu.sync_copy(obo, off_hbm.at[wid, pl.ds(b, 8)])
            pltpu.sync_copy(obm, msk_hbm.at[wid, pl.ds(b, 8)])


@functools.cache
def _get_sc_topk():
    return _sc_topk_partial()(_sc_topk_body)


def _sc_topk_partial():
    return functools.partial(
        pl.kernel,
        out_type=(
            jax.ShapeDtypeStruct((_NW, _ROWS_PER_W, K_PAD), jnp.int32),
            jax.ShapeDtypeStruct((_NW, _ROWS_PER_W, K_PAD), jnp.float32),
            jax.ShapeDtypeStruct((_NW, _ROWS_PER_W, K_PAD), jnp.int32),
            jax.ShapeDtypeStruct((_NW, _ROWS_PER_W, K_PAD), jnp.int32),
        ),
        mesh=plsc.VectorSubcoreMesh(
            core_axis_name="c", subcore_axis_name="s",
            num_cores=_NC, num_subcores=_NS),
        compiler_params=pltpu.CompilerParams(needs_layout_passes=False),
        scratch_types=[
            pltpu.VMEM((N,), jnp.float32),
            pltpu.VMEM((N,), jnp.float32),
            pltpu.VMEM((_NCHUNK,), jnp.float32),
            pltpu.VMEM((16,), jnp.float32),
            pltpu.VMEM((8, K_PAD), jnp.int32),
            pltpu.VMEM((8, K_PAD), jnp.float32),
            pltpu.VMEM((8, K_PAD), jnp.int32),
            pltpu.VMEM((8, K_PAD), jnp.int32),
            pltpu.SemaphoreType.DMA,
            pltpu.SemaphoreType.DMA,
        ],
    )


def kernel(span_emb, mention_scores, num_top_antecedents, W_fast, b_fast,
           emb_fast_distance, W_dist, b_dist):
    del num_top_antecedents
    span_p = jnp.pad(span_emb, ((0, 0), (0, KP - D_SPAN)))
    w_p = jnp.pad(W_fast, ((0, DP - D_SPAN), (0, KP - D_SPAN)))
    b_p = jnp.pad(b_fast, (0, DP - D_SPAN)).reshape(1, DP)

    source_p = _t1(span_p, w_p, b_p)

    bs10 = (emb_fast_distance @ W_dist.T + b_dist)[:, 0]
    bs_pad = jnp.zeros((1, 128), jnp.float32).at[0, :10].set(bs10)
    ms_row = mention_scores.reshape(N, 1)
    ms_col = mention_scores.reshape(1, N)

    scores = _t2(source_p, span_p, ms_row, ms_col, bs_pad)

    idx, val, off, msk = _get_sc_topk()(scores)

    def _unshard(x):
        return x.transpose(1, 0, 2).reshape(N, K_PAD)[:, :K_TOP]

    return (_unshard(idx), _unshard(msk).astype(bool),
            _unshard(val), _unshard(off))

# --- scband reference (transcript-rebuilt; emitter-appended) ---
"""Pipeline reference for scband-coref-decoder-82291573391600 (READ-ONLY COPY).

The authoritative reference and input builder live on the scoring server;
editing this copy changes nothing except your own understanding.
"""

import jax, jax.numpy as jnp
import numpy as np
import math

D_HIDDEN = 1024
D_FEAT = 20
D_SPAN = D_HIDDEN * 3 + D_FEAT  # 3092
N = 4096
K_TOP = 50


def setup_inputs(seed: int = 0) -> dict:
    key = jax.random.key(seed)
    ks = jax.random.split(key, 8)
    span_emb = jax.random.normal(ks[0], (N, D_SPAN), dtype=jnp.float32)
    mention_scores = jax.random.normal(ks[1], (N,), dtype=jnp.float32)
    # fast_antecedent_projection: Linear(D_SPAN, D_SPAN)
    W_fast = jax.random.normal(ks[2], (D_SPAN, D_SPAN), dtype=jnp.float32) * 0.02
    b_fast = jnp.zeros((D_SPAN,), dtype=jnp.float32)
    # emb_fast_distance: Embedding(10, D_FEAT), std=0.02
    emb_fast_distance = jax.random.normal(ks[3], (10, D_FEAT), dtype=jnp.float32) * 0.02
    # distance_projection: Linear(D_FEAT, 1)
    W_dist = jax.random.normal(ks[4], (1, D_FEAT), dtype=jnp.float32) * 0.02
    b_dist = jnp.zeros((1,), dtype=jnp.float32)
    return {
        "span_emb": span_emb,
        "mention_scores": mention_scores,
        "num_top_antecedents": K_TOP,
        "W_fast": W_fast,
        "b_fast": b_fast,
        "emb_fast_distance": emb_fast_distance,
        "W_dist": W_dist,
        "b_dist": b_dist,
    }


def bucket_distance(distances):
    # [0,1,2,3,4,5-7,8-15,16-31,32-63,64+] semi-logscale buckets
    logspace_idx = jnp.floor(
        jnp.log(jnp.maximum(distances.astype(jnp.float32), 1.0)) / math.log(2)
    ).astype(jnp.int32) + 3
    use_identity = (distances <= 4).astype(jnp.int32)
    combined_idx = use_identity * distances.astype(jnp.int32) + (1 - use_identity) * logspace_idx
    return jnp.clip(combined_idx, 0, 9)


def reference(span_emb, mention_scores, num_top_antecedents, W_fast, b_fast,
              emb_fast_distance, W_dist, b_dist):
    # CorefDecoder.coarse_to_fine_pruning in eval mode (dropout = identity)
    n = span_emb.shape[0]
    top_span_range = jnp.arange(n)
    antecedent_offsets = top_span_range[:, None] - top_span_range[None, :]
    antecedents_mask = antecedent_offsets >= 1
    fast_antecedent_scores = mention_scores[:, None] + mention_scores[None, :]
    fast_antecedent_scores = fast_antecedent_scores + jnp.log(antecedents_mask.astype(jnp.float32))
    # get_fast_antecedent_scores: source_emb @ target_emb.T
    source_emb = span_emb @ W_fast.T + b_fast
    fast_antecedent_scores = fast_antecedent_scores + source_emb @ span_emb.T
    # distance bucket scores
    buckets = bucket_distance(antecedent_offsets)
    bucket_embeddings = emb_fast_distance  # Embedding(arange(10)) = full table
    bucket_scores = bucket_embeddings @ W_dist.T + b_dist  # (10, 1)
    fast_antecedent_scores = fast_antecedent_scores + bucket_scores[:, 0][buckets]
    # top-k pruning of antecedent candidates per mention
    _, top_antecedents = jax.lax.top_k(fast_antecedent_scores, K_TOP)
    num_top_antecedents = jnp.asarray(num_top_antecedents)
    top_antecedents = top_antecedents * (num_top_antecedents // num_top_antecedents).astype(top_antecedents.dtype)
    top_antecedents_mask = jnp.take_along_axis(antecedents_mask, top_antecedents, axis=1)
    top_antecedents_fast_scores = jnp.take_along_axis(fast_antecedent_scores, top_antecedents, axis=1)
    top_antecedent_offsets = jnp.take_along_axis(antecedent_offsets, top_antecedents, axis=1)
    return top_antecedents, top_antecedents_mask, top_antecedents_fast_scores, top_antecedent_offsets

if __name__ == "__main__":
    import jax
    _d = setup_inputs()
    print(jax.jit(kernel)(*tuple(_d.values())))

</pallas_src>

<mosaic_0001>
#map = affine_map<(d0, d1) -> (0, 0)>
#map1 = affine_map<(d0, d1) -> (0, 0, 0)>
module attributes {stable_mosaic.version = 14 : i64} {
  func.func @_sc_topk_body(%arg0: i32, %arg1: i32, %arg2: memref<4096x4096xf32, #tpu.memory_space<hbm>>, %arg3: memref<32x128x64xi32, #tpu.memory_space<hbm>>, %arg4: memref<32x128x64xf32, #tpu.memory_space<hbm>>, %arg5: memref<32x128x64xi32, #tpu.memory_space<hbm>>, %arg6: memref<32x128x64xi32, #tpu.memory_space<hbm>>, %arg7: memref<4096xf32, #tpu.memory_space<vmem>>, %arg8: memref<4096xf32, #tpu.memory_space<vmem>>, %arg9: memref<256xf32, #tpu.memory_space<vmem>>, %arg10: memref<16xf32, #tpu.memory_space<vmem>>, %arg11: memref<8x64xi32, #tpu.memory_space<vmem>>, %arg12: memref<8x64xf32, #tpu.memory_space<vmem>>, %arg13: memref<8x64xi32, #tpu.memory_space<vmem>>, %arg14: memref<8x64xi32, #tpu.memory_space<vmem>>, %arg15: memref<!tpu.dma_semaphore, #tpu.memory_space<semaphore_mem>>, %arg16: memref<!tpu.dma_semaphore, #tpu.memory_space<semaphore_mem>>) attributes {dimension_semantics = [#tpu.dimension_semantics<core_parallel>, #tpu.dimension_semantics<subcore_parallel>], iteration_bounds = array<i64: 2, 16>, scalar_prefetch = 0 : i64, scratch_operands = 10 : i64, tpu.core_type = #tpu.core_type<sc_vector_subcore>, window_params = [{transform_indices = #map}, {transform_indices = #map1}, {transform_indices = #map1}, {transform_indices = #map1}, {transform_indices = #map1}]} {
    %mul3A = arith.constant 2 : i32
    %mul3A_0 = arith.muli %arg1, %mul3A : i32
    %add3A = arith.addi %mul3A_0, %arg0 : i32
    %iota3A = tpu.iota {dimensions = array<i32: 0>} : vector<16xi32>
    %eq3A = arith.constant 0 : i32
    %eq3A_1 = vector.broadcast %eq3A : i32 to vector<16xi32>
    %eq3A_2 = arith.cmpi eq, %iota3A, %eq3A_1 : vector<16xi32>
    %dma_start3A = arith.constant 0 : i32
    %dma_start3A_3 = tpu.memref_slice %arg2[%add3A, %dma_start3A] : memref<4096x4096xf32, #tpu.memory_space<hbm>> -> memref<1x4096xf32, #tpu.memory_space<hbm>>
    %dma_start3A_4 = tpu.memref_squeeze %dma_start3A_3 : memref<1x4096xf32, #tpu.memory_space<hbm>> -> memref<4096xf32, #tpu.memory_space<hbm>>
    %dma_start3A_5 = arith.constant 0 : i32
    %dma_start3A_6 = tpu.memref_slice %arg2[%add3A, %dma_start3A_5] : memref<4096x4096xf32, #tpu.memory_space<hbm>> -> memref<1x4096xf32, #tpu.memory_space<hbm>>
    %dma_start3A_7 = tpu.memref_squeeze %dma_start3A_6 : memref<1x4096xf32, #tpu.memory_space<hbm>> -> memref<4096xf32, #tpu.memory_space<hbm>>
    tpu.enqueue_dma source(%dma_start3A_7 : memref<4096xf32, #tpu.memory_space<hbm>>) target(%arg7 : memref<4096xf32, #tpu.memory_space<vmem>>) target_semaphore(%arg15 : memref<!tpu.dma_semaphore, #tpu.memory_space<semaphore_mem>>)
    %scan3A = arith.constant 0xFF800000 : f32
    %scan3A_8 = arith.constant 0 : i32
    %scan3A_9 = arith.constant 64 : i32
    %scan3A_10 = arith.addi %scan3A_8, %scan3A_9 : i32
    %scan3A_11 = arith.constant 1 : i32
    scf.for %scan3A_13 = %scan3A_8 to %scan3A_10 step %scan3A_11  : i32 {
      %mul3A_14 = arith.constant 1 : i32
      %mul3A_15 = arith.muli %scan3A_13, %mul3A_14 : i32
      %add3A_16 = arith.constant 0 : i32
      %add3A_17 = arith.addi %add3A_16, %mul3A_15 : i32
      %mul3A_18 = arith.constant 2 : i32
      %mul3A_19 = arith.muli %mul3A_18, %add3A_17 : i32
      %add3A_20 = arith.constant 1 : i32
      %add3A_21 = arith.addi %mul3A_19, %add3A_20 : i32
      %mul3A_22 = arith.constant 32 : i32
      %mul3A_23 = arith.muli %add3A_21, %mul3A_22 : i32
      %add3A_24 = arith.addi %mul3A_23, %add3A : i32
      %dma_start3A_25 = arith.constant 0 : i32
      %dma_start3A_26 = tpu.memref_slice %arg2[%add3A_24, %dma_start3A_25] : memref<4096x4096xf32, #tpu.memory_space<hbm>> -> memref<1x4096xf32, #tpu.memory_space<hbm>>
      %dma_start3A_27 = tpu.memref_squeeze %dma_start3A_26 : memref<1x4096xf32, #tpu.memory_space<hbm>> -> memref<4096xf32, #tpu.memory_space<hbm>>
      %dma_start3A_28 = arith.constant 0 : i32
      %dma_start3A_29 = tpu.memref_slice %arg2[%add3A_24, %dma_start3A_28] : memref<4096x4096xf32, #tpu.memory_space<hbm>> -> memref<1x4096xf32, #tpu.memory_space<hbm>>
      %dma_start3A_30 = tpu.memref_squeeze %dma_start3A_29 : memref<1x4096xf32, #tpu.memory_space<hbm>> -> memref<4096xf32, #tpu.memory_space<hbm>>
      tpu.enqueue_dma source(%dma_start3A_30 : memref<4096xf32, #tpu.memory_space<hbm>>) target(%arg8 : memref<4096xf32, #tpu.memory_space<vmem>>) target_semaphore(%arg16 : memref<!tpu.dma_semaphore, #tpu.memory_space<semaphore_mem>>)
      %dma_wait3A = arith.constant 0 : i32
      %dma_wait3A_31 = arith.constant 0 : i32
      %dma_wait3A_32 = tpu.memref_slice %arg2[%dma_wait3A, %dma_wait3A_31] : memref<4096x4096xf32, #tpu.memory_space<hbm>> -> memref<1x4096xf32, #tpu.memory_space<hbm>>
      %dma_wait3A_33 = tpu.memref_squeeze %dma_wait3A_32 : memref<1x4096xf32, #tpu.memory_space<hbm>> -> memref<4096xf32, #tpu.memory_space<hbm>>
      %dma_wait3A_34 = arith.constant 0 : i32
      %dma_wait3A_35 = tpu.memref_slice %arg2[%dma_wait3A, %dma_wait3A_34] : memref<4096x4096xf32, #tpu.memory_space<hbm>> -> memref<1x4096xf32, #tpu.memory_space<hbm>>
      %dma_wait3A_36 = tpu.memref_squeeze %dma_wait3A_35 : memref<1x4096xf32, #tpu.memory_space<hbm>> -> memref<4096xf32, #tpu.memory_space<hbm>>
      tpu.wait_dma2 semaphore(%arg15 : memref<!tpu.dma_semaphore, #tpu.memory_space<semaphore_mem>>) src(%dma_wait3A_36 : memref<4096xf32, #tpu.memory_space<hbm>>) dst(%arg7 : memref<4096xf32, #tpu.memory_space<vmem>>)
      %mul3A_37 = arith.constant 32 : i32
      %mul3A_38 = arith.muli %mul3A_19, %mul3A_37 : i32
      %add3A_39 = arith.addi %mul3A_38, %add3A : i32
      %jit3A = arith.constant 8 : i32
      %eq3A_40 = arith.constant 0 : i32
      %eq3A_41 = arith.cmpi eq, %jit3A, %eq3A_40 : i32
      %jit3A_42 = arith.constant 1 : i32
      %select_n3A = arith.select %eq3A_41, %jit3A_42, %jit3A : i32
      %rem3A = arith.remsi %mul3A_19, %select_n3A : i32
      %ne3A = arith.constant 0 : i32
      %ne3A_43 = arith.cmpi ne, %rem3A, %ne3A : i32
      %lt3A = arith.constant 0 : i32
      %lt3A_44 = arith.cmpi slt, %rem3A, %lt3A : i32
      %lt3A_45 = arith.constant 0 : i32
      %lt3A_46 = arith.cmpi slt, %select_n3A, %lt3A_45 : i32
      %ne3A_47 = arith.xori %lt3A_44, %lt3A_46 : i1
      %and3A = arith.andi %ne3A_47, %ne3A_43 : i1
      %add3A_48 = arith.addi %rem3A, %select_n3A : i32
      %select_n3A_49 = arith.select %and3A, %add3A_48, %rem3A : i32
      %max3A = arith.constant 50 : i32
      %max3A_50 = arith.maxsi %add3A_39, %max3A : i32
      %add3A_51 = arith.constant 15 : i32
      %add3A_52 = arith.addi %max3A_50, %add3A_51 : i32
      %jit3A_53 = arith.constant 16 : i32
      %div3A = arith.divsi %add3A_52, %jit3A_53 : i32
      %sign3A = arith.constant 0 : i32
      %sign3A_54 = arith.cmpi sgt, %add3A_52, %sign3A : i32
      %sign3A_55 = arith.extui %sign3A_54 : i1 to i32
      %sign3A_56 = arith.constant 0 : i32
      %sign3A_57 = arith.cmpi slt, %add3A_52, %sign3A_56 : i32
      %sign3A_58 = arith.extui %sign3A_57 : i1 to i32
      %sign3A_59 = arith.subi %sign3A_55, %sign3A_58 : i32
      %sign3A_60 = arith.constant 0 : i32
      %sign3A_61 = arith.cmpi sgt, %jit3A_53, %sign3A_60 : i32
      %sign3A_62 = arith.extui %sign3A_61 : i1 to i32
      %sign3A_63 = arith.constant 0 : i32
      %sign3A_64 = arith.cmpi slt, %jit3A_53, %sign3A_63 : i32
      %sign3A_65 = arith.extui %sign3A_64 : i1 to i32
      %sign3A_66 = arith.subi %sign3A_62, %sign3A_65 : i32
      %ne3A_67 = arith.cmpi ne, %sign3A_59, %sign3A_66 : i32
      %rem3A_68 = arith.remsi %add3A_52, %jit3A_53 : i32
      %ne3A_69 = arith.constant 0 : i32
      %ne3A_70 = arith.cmpi ne, %rem3A_68, %ne3A_69 : i32
      %and3A_71 = arith.andi %ne3A_67, %ne3A_70 : i1
      %sub3A = arith.constant 1 : i32
      %sub3A_72 = arith.subi %div3A, %sub3A : i32
      %select_n3A_73 = arith.select %and3A_71, %sub3A_72, %div3A : i32
      %add3A_74 = arith.constant 15 : i32
      %add3A_75 = arith.addi %select_n3A_73, %add3A_74 : i32
      %jit3A_76 = arith.constant 16 : i32
      %div3A_77 = arith.divsi %add3A_75, %jit3A_76 : i32
      %sign3A_78 = arith.constant 0 : i32
      %sign3A_79 = arith.cmpi sgt, %add3A_75, %sign3A_78 : i32
      %sign3A_80 = arith.extui %sign3A_79 : i1 to i32
      %sign3A_81 = arith.constant 0 : i32
      %sign3A_82 = arith.cmpi slt, %add3A_75, %sign3A_81 : i32
      %sign3A_83 = arith.extui %sign3A_82 : i1 to i32
      %sign3A_84 = arith.subi %sign3A_80, %sign3A_83 : i32
      %sign3A_85 = arith.constant 0 : i32
      %sign3A_86 = arith.cmpi sgt, %jit3A_76, %sign3A_85 : i32
      %sign3A_87 = arith.extui %sign3A_86 : i1 to i32
      %sign3A_88 = arith.constant 0 : i32
      %sign3A_89 = arith.cmpi slt, %jit3A_76, %sign3A_88 : i32
      %sign3A_90 = arith.extui %sign3A_89 : i1 to i32
      %sign3A_91 = arith.subi %sign3A_87, %sign3A_90 : i32
      %ne3A_92 = arith.cmpi ne, %sign3A_84, %sign3A_91 : i32
      %rem3A_93 = arith.remsi %add3A_75, %jit3A_76 : i32
      %ne3A_94 = arith.constant 0 : i32
      %ne3A_95 = arith.cmpi ne, %rem3A_93, %ne3A_94 : i32
      %and3A_96 = arith.andi %ne3A_92, %ne3A_95 : i1
      %sub3A_97 = arith.constant 1 : i32
      %sub3A_98 = arith.subi %div3A_77, %sub3A_97 : i32
      %select_n3A_99 = arith.select %and3A_96, %sub3A_98, %div3A_77 : i32
      %sub3A_100 = arith.constant 0 : i32
      %sub3A_101 = arith.subi %select_n3A_99, %sub3A_100 : i32
      %sub3A_102 = arith.constant 1 : i32
      %sub3A_103 = arith.constant 1 : i32
      %sub3A_104 = arith.subi %sub3A_102, %sub3A_103 : i32
      %add3A_105 = arith.addi %sub3A_101, %sub3A_104 : i32
      %div3A_106 = arith.constant 1 : i32
      %div3A_107 = arith.divsi %add3A_105, %div3A_106 : i32
      %while3A = arith.constant 1 : i32
      %while3A_108 = arith.constant 0 : i32
      %while3A_109 = arith.constant 0 : i32
      %while3A_110 = arith.subi %div3A_107, %while3A_109 : i32
      %while3A_111 = arith.addi %while3A_109, %while3A_110 : i32
      %while3A_112 = arith.constant 1 : i32
      %while3A_113 = arith.divsi %while3A_110, %while3A_112 : i32
      %while3A_114 = arith.muli %while3A_113, %while3A_112 : i32
      %while3A_115 = arith.addi %while3A_109, %while3A_114 : i32
      %while3A_116 = arith.constant 1 : i32
      scf.for %while3A_272 = %while3A_109 to %while3A_115 step %while3A_116  : i32 {
        %mul3A_273 = arith.muli %while3A_272, %while3A : i32
        %add3A_274 = arith.addi %while3A_108, %mul3A_273 : i32
        %mul3A_275 = arith.constant 256 : i32
        %mul3A_276 = arith.muli %add3A_274, %mul3A_275 : i32
        %mul3A_277 = arith.constant 16 : i32
        %mul3A_278 = vector.broadcast %mul3A_277 : i32 to vector<16xi32>
        %mul3A_279 = arith.muli %iota3A, %mul3A_278 : vector<16xi32>
        %add3A_280 = vector.broadcast %mul3A_276 : i32 to vector<16xi32>
        %add3A_281 = arith.addi %add3A_280, %mul3A_279 : vector<16xi32>
        %gather3A = tpu.vector_load_idx %arg7[%add3A_281] : memref<4096xf32, #tpu.memory_space<vmem>>[vector<16xi32>], vector<16xf32>,
        %add3A_282 = arith.constant 1 : i32
        %add3A_283 = vector.broadcast %add3A_282 : i32 to vector<16xi32>
        %add3A_284 = arith.addi %add3A_281, %add3A_283 : vector<16xi32>
        %gather3A_285 = tpu.vector_load_idx %arg7[%add3A_284] : memref<4096xf32, #tpu.memory_space<vmem>>[vector<16xi32>], vector<16xf32>,
        %max3A_286 = arith.maximumf %gather3A, %gather3A_285 : vector<16xf32>
        %add3A_287 = arith.constant 2 : i32
        %add3A_288 = vector.broadcast %add3A_287 : i32 to vector<16xi32>
        %add3A_289 = arith.addi %add3A_281, %add3A_288 : vector<16xi32>
        %gather3A_290 = tpu.vector_load_idx %arg7[%add3A_289] : memref<4096xf32, #tpu.memory_space<vmem>>[vector<16xi32>], vector<16xf32>,
        %max3A_291 = arith.maximumf %max3A_286, %gather3A_290 : vector<16xf32>
        %add3A_292 = arith.constant 3 : i32
        %add3A_293 = vector.broadcast %add3A_292 : i32 to vector<16xi32>
        %add3A_294 = arith.addi %add3A_281, %add3A_293 : vector<16xi32>
        %gather3A_295 = tpu.vector_load_idx %arg7[%add3A_294] : memref<4096xf32, #tpu.memory_space<vmem>>[vector<16xi32>], vector<16xf32>,
        %max3A_296 = arith.maximumf %max3A_291, %gather3A_295 : vector<16xf32>
        %add3A_297 = arith.constant 4 : i32
        %add3A_298 = vector.broadcast %add3A_297 : i32 to vector<16xi32>
        %add3A_299 = arith.addi %add3A_281, %add3A_298 : vector<16xi32>
        %gather3A_300 = tpu.vector_load_idx %arg7[%add3A_299] : memref<4096xf32, #tpu.memory_space<vmem>>[vector<16xi32>], vector<16xf32>,
        %max3A_301 = arith.maximumf %max3A_296, %gather3A_300 : vector<16xf32>
        %add3A_302 = arith.constant 5 : i32
        %add3A_303 = vector.broadcast %add3A_302 : i32 to vector<16xi32>
        %add3A_304 = arith.addi %add3A_281, %add3A_303 : vector<16xi32>
        %gather3A_305 = tpu.vector_load_idx %arg7[%add3A_304] : memref<4096xf32, #tpu.memory_space<vmem>>[vector<16xi32>], vector<16xf32>,
        %max3A_306 = arith.maximumf %max3A_301, %gather3A_305 : vector<16xf32>
        %add3A_307 = arith.constant 6 : i32
        %add3A_308 = vector.broadcast %add3A_307 : i32 to vector<16xi32>
        %add3A_309 = arith.addi %add3A_281, %add3A_308 : vector<16xi32>
        %gather3A_310 = tpu.vector_load_idx %arg7[%add3A_309] : memref<4096xf32, #tpu.memory_space<vmem>>[vector<16xi32>], vector<16xf32>,
        %max3A_311 = arith.maximumf %max3A_306, %gather3A_310 : vector<16xf32>
        %add3A_312 = arith.constant 7 : i32
        %add3A_313 = vector.broadcast %add3A_312 : i32 to vector<16xi32>
        %add3A_314 = arith.addi %add3A_281, %add3A_313 : vector<16xi32>
        %gather3A_315 = tpu.vector_load_idx %arg7[%add3A_314] : memref<4096xf32, #tpu.memory_space<vmem>>[vector<16xi32>], vector<16xf32>,
        %max3A_316 = arith.maximumf %max3A_311, %gather3A_315 : vector<16xf32>
        %add3A_317 = arith.constant 8 : i32
        %add3A_318 = vector.broadcast %add3A_317 : i32 to vector<16xi32>
        %add3A_319 = arith.addi %add3A_281, %add3A_318 : vector<16xi32>
        %gather3A_320 = tpu.vector_load_idx %arg7[%add3A_319] : memref<4096xf32, #tpu.memory_space<vmem>>[vector<16xi32>], vector<16xf32>,
        %max3A_321 = arith.maximumf %max3A_316, %gather3A_320 : vector<16xf32>
        %add3A_322 = arith.constant 9 : i32
        %add3A_323 = vector.broadcast %add3A_322 : i32 to vector<16xi32>
        %add3A_324 = arith.addi %add3A_281, %add3A_323 : vector<16xi32>
        %gather3A_325 = tpu.vector_load_idx %arg7[%add3A_324] : memref<4096xf32, #tpu.memory_space<vmem>>[vector<16xi32>], vector<16xf32>,
        %max3A_326 = arith.maximumf %max3A_321, %gather3A_325 : vector<16xf32>
        %add3A_327 = arith.constant 10 : i32
        %add3A_328 = vector.broadcast %add3A_327 : i32 to vector<16xi32>
        %add3A_329 = arith.addi %add3A_281, %add3A_328 : vector<16xi32>
        %gather3A_330 = tpu.vector_load_idx %arg7[%add3A_329] : memref<4096xf32, #tpu.memory_space<vmem>>[vector<16xi32>], vector<16xf32>,
        %max3A_331 = arith.maximumf %max3A_326, %gather3A_330 : vector<16xf32>
        %add3A_332 = arith.constant 11 : i32
        %add3A_333 = vector.broadcast %add3A_332 : i32 to vector<16xi32>
        %add3A_334 = arith.addi %add3A_281, %add3A_333 : vector<16xi32>
        %gather3A_335 = tpu.vector_load_idx %arg7[%add3A_334] : memref<4096xf32, #tpu.memory_space<vmem>>[vector<16xi32>], vector<16xf32>,
        %max3A_336 = arith.maximumf %max3A_331, %gather3A_335 : vector<16xf32>
        %add3A_337 = arith.constant 12 : i32
        %add3A_338 = vector.broadcast %add3A_337 : i32 to vector<16xi32>
        %add3A_339 = arith.addi %add3A_281, %add3A_338 : vector<16xi32>
        %gather3A_340 = tpu.vector_load_idx %arg7[%add3A_339] : memref<4096xf32, #tpu.memory_space<vmem>>[vector<16xi32>], vector<16xf32>,
        %max3A_341 = arith.maximumf %max3A_336, %gather3A_340 : vector<16xf32>
        %add3A_342 = arith.constant 13 : i32
        %add3A_343 = vector.broadcast %add3A_342 : i32 to vector<16xi32>
        %add3A_344 = arith.addi %add3A_281, %add3A_343 : vector<16xi32>
        %gather3A_345 = tpu.vector_load_idx %arg7[%add3A_344] : memref<4096xf32, #tpu.memory_space<vmem>>[vector<16xi32>], vector<16xf32>,
        %max3A_346 = arith.maximumf %max3A_341, %gather3A_345 : vector<16xf32>
        %add3A_347 = arith.constant 14 : i32
        %add3A_348 = vector.broadcast %add3A_347 : i32 to vector<16xi32>
        %add3A_349 = arith.addi %add3A_281, %add3A_348 : vector<16xi32>
        %gather3A_350 = tpu.vector_load_idx %arg7[%add3A_349] : memref<4096xf32, #tpu.memory_space<vmem>>[vector<16xi32>], vector<16xf32>,
        %max3A_351 = arith.maximumf %max3A_346, %gather3A_350 : vector<16xf32>
        %add3A_352 = arith.constant 15 : i32
        %add3A_353 = vector.broadcast %add3A_352 : i32 to vector<16xi32>
        %add3A_354 = arith.addi %add3A_281, %add3A_353 : vector<16xi32>
        %gather3A_355 = tpu.vector_load_idx %arg7[%add3A_354] : memref<4096xf32, #tpu.memory_space<vmem>>[vector<16xi32>], vector<16xf32>,
        %max3A_356 = arith.maximumf %max3A_351, %gather3A_355 : vector<16xf32>
        %mul3A_357 = arith.constant 16 : i32
        %mul3A_358 = arith.muli %add3A_274, %mul3A_357 : i32
        %add3A_359 = vector.broadcast %mul3A_358 : i32 to vector<16xi32>
        %add3A_360 = arith.addi %add3A_359, %iota3A : vector<16xi32>
        tpu.vector_store_idx %arg9[%add3A_360], %max3A_356 : memref<256xf32, #tpu.memory_space<vmem>>[vector<16xi32>], vector<16xf32>,
        %broadcast_in_dim3A_361 = vector.broadcast %add3A_274 : i32 to vector<16xi32>
        %reduce_max3A = arith.constant true
        %reduce_max3A_362 = vector.broadcast %reduce_max3A : i1 to vector<16xi1>
        %reduce_max3A_363 = tpu.scan <max>, %max3A_356 masked %reduce_max3A_362 : vector<16xf32>, vector<16xi1> -> vector<16xf32>
        %reduce_max3A_364 = vector.extract %reduce_max3A_363[15] : f32 from vector<16xf32>
        %broadcast_in_dim3A_365 = vector.broadcast %reduce_max3A_364 : f32 to vector<16xf32>
        tpu.vector_store_idx %arg10[%broadcast_in_dim3A_361], %broadcast_in_dim3A_365 masked %eq3A_2 : memref<16xf32, #tpu.memory_space<vmem>>[vector<16xi32>], vector<16xf32>, vector<16xi1>
      }
      %while3A_117 = arith.constant 1 : i32
      scf.for %while3A_272 = %while3A_115 to %while3A_111 step %while3A_117  : i32 {
        %mul3A_273 = arith.muli %while3A_272, %while3A : i32
        %add3A_274 = arith.addi %while3A_108, %mul3A_273 : i32
        %mul3A_275 = arith.constant 256 : i32
        %mul3A_276 = arith.muli %add3A_274, %mul3A_275 : i32
        %mul3A_277 = arith.constant 16 : i32
        %mul3A_278 = vector.broadcast %mul3A_277 : i32 to vector<16xi32>
        %mul3A_279 = arith.muli %iota3A, %mul3A_278 : vector<16xi32>
        %add3A_280 = vector.broadcast %mul3A_276 : i32 to vector<16xi32>
        %add3A_281 = arith.addi %add3A_280, %mul3A_279 : vector<16xi32>
        %gather3A = tpu.vector_load_idx %arg7[%add3A_281] : memref<4096xf32, #tpu.memory_space<vmem>>[vector<16xi32>], vector<16xf32>,
        %add3A_282 = arith.constant 1 : i32
        %add3A_283 = vector.broadcast %add3A_282 : i32 to vector<16xi32>
        %add3A_284 = arith.addi %add3A_281, %add3A_283 : vector<16xi32>
        %gather3A_285 = tpu.vector_load_idx %arg7[%add3A_284] : memref<4096xf32, #tpu.memory_space<vmem>>[vector<16xi32>], vector<16xf32>,
        %max3A_286 = arith.maximumf %gather3A, %gather3A_285 : vector<16xf32>
        %add3A_287 = arith.constant 2 : i32
        %add3A_288 = vector.broadcast %add3A_287 : i32 to vector<16xi32>
        %add3A_289 = arith.addi %add3A_281, %add3A_288 : vector<16xi32>
        %gather3A_290 = tpu.vector_load_idx %arg7[%add3A_289] : memref<4096xf32, #tpu.memory_space<vmem>>[vector<16xi32>], vector<16xf32>,
        %max3A_291 = arith.maximumf %max3A_286, %gather3A_290 : vector<16xf32>
        %add3A_292 = arith.constant 3 : i32
        %add3A_293 = vector.broadcast %add3A_292 : i32 to vector<16xi32>
        %add3A_294 = arith.addi %add3A_281, %add3A_293 : vector<16xi32>
        %gather3A_295 = tpu.vector_load_idx %arg7[%add3A_294] : memref<4096xf32, #tpu.memory_space<vmem>>[vector<16xi32>], vector<16xf32>,
        %max3A_296 = arith.maximumf %max3A_291, %gather3A_295 : vector<16xf32>
        %add3A_297 = arith.constant 4 : i32
        %add3A_298 = vector.broadcast %add3A_297 : i32 to vector<16xi32>
        %add3A_299 = arith.addi %add3A_281, %add3A_298 : vector<16xi32>
        %gather3A_300 = tpu.vector_load_idx %arg7[%add3A_299] : memref<4096xf32, #tpu.memory_space<vmem>>[vector<16xi32>], vector<16xf32>,
        %max3A_301 = arith.maximumf %max3A_296, %gather3A_300 : vector<16xf32>
        %add3A_302 = arith.constant 5 : i32
        %add3A_303 = vector.broadcast %add3A_302 : i32 to vector<16xi32>
        %add3A_304 = arith.addi %add3A_281, %add3A_303 : vector<16xi32>
        %gather3A_305 = tpu.vector_load_idx %arg7[%add3A_304] : memref<4096xf32, #tpu.memory_space<vmem>>[vector<16xi32>], vector<16xf32>,
        %max3A_306 = arith.maximumf %max3A_301, %gather3A_305 : vector<16xf32>
        %add3A_307 = arith.constant 6 : i32
        %add3A_308 = vector.broadcast %add3A_307 : i32 to vector<16xi32>
        %add3A_309 = arith.addi %add3A_281, %add3A_308 : vector<16xi32>
        %gather3A_310 = tpu.vector_load_idx %arg7[%add3A_309] : memref<4096xf32, #tpu.memory_space<vmem>>[vector<16xi32>], vector<16xf32>,
        %max3A_311 = arith.maximumf %max3A_306, %gather3A_310 : vector<16xf32>
        %add3A_312 = arith.constant 7 : i32
        %add3A_313 = vector.broadcast %add3A_312 : i32 to vector<16xi32>
        %add3A_314 = arith.addi %add3A_281, %add3A_313 : vector<16xi32>
        %gather3A_315 = tpu.vector_load_idx %arg7[%add3A_314] : memref<4096xf32, #tpu.memory_space<vmem>>[vector<16xi32>], vector<16xf32>,
        %max3A_316 = arith.maximumf %max3A_311, %gather3A_315 : vector<16xf32>
        %add3A_317 = arith.constant 8 : i32
        %add3A_318 = vector.broadcast %add3A_317 : i32 to vector<16xi32>
        %add3A_319 = arith.addi %add3A_281, %add3A_318 : vector<16xi32>
        %gather3A_320 = tpu.vector_load_idx %arg7[%add3A_319] : memref<4096xf32, #tpu.memory_space<vmem>>[vector<16xi32>], vector<16xf32>,
        %max3A_321 = arith.maximumf %max3A_316, %gather3A_320 : vector<16xf32>
        %add3A_322 = arith.constant 9 : i32
        %add3A_323 = vector.broadcast %add3A_322 : i32 to vector<16xi32>
        %add3A_324 = arith.addi %add3A_281, %add3A_323 : vector<16xi32>
        %gather3A_325 = tpu.vector_load_idx %arg7[%add3A_324] : memref<4096xf32, #tpu.memory_space<vmem>>[vector<16xi32>], vector<16xf32>,
        %max3A_326 = arith.maximumf %max3A_321, %gather3A_325 : vector<16xf32>
        %add3A_327 = arith.constant 10 : i32
        %add3A_328 = vector.broadcast %add3A_327 : i32 to vector<16xi32>
        %add3A_329 = arith.addi %add3A_281, %add3A_328 : vector<16xi32>
        %gather3A_330 = tpu.vector_load_idx %arg7[%add3A_329] : memref<4096xf32, #tpu.memory_space<vmem>>[vector<16xi32>], vector<16xf32>,
        %max3A_331 = arith.maximumf %max3A_326, %gather3A_330 : vector<16xf32>
        %add3A_332 = arith.constant 11 : i32
        %add3A_333 = vector.broadcast %add3A_332 : i32 to vector<16xi32>
        %add3A_334 = arith.addi %add3A_281, %add3A_333 : vector<16xi32>
        %gather3A_335 = tpu.vector_load_idx %arg7[%add3A_334] : memref<4096xf32, #tpu.memory_space<vmem>>[vector<16xi32>], vector<16xf32>,
        %max3A_336 = arith.maximumf %max3A_331, %gather3A_335 : vector<16xf32>
        %add3A_337 = arith.constant 12 : i32
        %add3A_338 = vector.broadcast %add3A_337 : i32 to vector<16xi32>
        %add3A_339 = arith.addi %add3A_281, %add3A_338 : vector<16xi32>
        %gather3A_340 = tpu.vector_load_idx %arg7[%add3A_339] : memref<4096xf32, #tpu.memory_space<vmem>>[vector<16xi32>], vector<16xf32>,
        %max3A_341 = arith.maximumf %max3A_336, %gather3A_340 : vector<16xf32>
        %add3A_342 = arith.constant 13 : i32
        %add3A_343 = vector.broadcast %add3A_342 : i32 to vector<16xi32>
        %add3A_344 = arith.addi %add3A_281, %add3A_343 : vector<16xi32>
        %gather3A_345 = tpu.vector_load_idx %arg7[%add3A_344] : memref<4096xf32, #tpu.memory_space<vmem>>[vector<16xi32>], vector<16xf32>,
        %max3A_346 = arith.maximumf %max3A_341, %gather3A_345 : vector<16xf32>
        %add3A_347 = arith.constant 14 : i32
        %add3A_348 = vector.broadcast %add3A_347 : i32 to vector<16xi32>
        %add3A_349 = arith.addi %add3A_281, %add3A_348 : vector<16xi32>
        %gather3A_350 = tpu.vector_load_idx %arg7[%add3A_349] : memref<4096xf32, #tpu.memory_space<vmem>>[vector<16xi32>], vector<16xf32>,
        %max3A_351 = arith.maximumf %max3A_346, %gather3A_350 : vector<16xf32>
        %add3A_352 = arith.constant 15 : i32
        %add3A_353 = vector.broadcast %add3A_352 : i32 to vector<16xi32>
        %add3A_354 = arith.addi %add3A_281, %add3A_353 : vector<16xi32>
        %gather3A_355 = tpu.vector_load_idx %arg7[%add3A_354] : memref<4096xf32, #tpu.memory_space<vmem>>[vector<16xi32>], vector<16xf32>,
        %max3A_356 = arith.maximumf %max3A_351, %gather3A_355 : vector<16xf32>
        %mul3A_357 = arith.constant 16 : i32
        %mul3A_358 = arith.muli %add3A_274, %mul3A_357 : i32
        %add3A_359 = vector.broadcast %mul3A_358 : i32 to vector<16xi32>
        %add3A_360 = arith.addi %add3A_359, %iota3A : vector<16xi32>
        tpu.vector_store_idx %arg9[%add3A_360], %max3A_356 : memref<256xf32, #tpu.memory_space<vmem>>[vector<16xi32>], vector<16xf32>,
        %broadcast_in_dim3A_361 = vector.broadcast %add3A_274 : i32 to vector<16xi32>
        %reduce_max3A = arith.constant true
        %reduce_max3A_362 = vector.broadcast %reduce_max3A : i1 to vector<16xi1>
        %reduce_max3A_363 = tpu.scan <max>, %max3A_356 masked %reduce_max3A_362 : vector<16xf32>, vector<16xi1> -> vector<16xf32>
        %reduce_max3A_364 = vector.extract %reduce_max3A_363[15] : f32 from vector<16xf32>
        %broadcast_in_dim3A_365 = vector.broadcast %reduce_max3A_364 : f32 to vector<16xf32>
        tpu.vector_store_idx %arg10[%broadcast_in_dim3A_361], %broadcast_in_dim3A_365 masked %eq3A_2 : memref<16xf32, #tpu.memory_space<vmem>>[vector<16xi32>], vector<16xf32>, vector<16xi1>
      }
      %lt3A_118 = vector.broadcast %select_n3A_99 : i32 to vector<16xi32>
      %lt3A_119 = arith.cmpi slt, %iota3A, %lt3A_118 : vector<16xi32>
      %get3A = arith.constant 0 : index
      %get3A_120 = tpu.vector_load %arg10[%get3A] {strides = array<i32>} : memref<16xf32, #tpu.memory_space<vmem>>, vector<16xf32>,
      %jit3A_121 = arith.constant -3.000000e+38 : f32
      %broadcast_in_dim3A = vector.broadcast %jit3A_121 : f32 to vector<16xf32>
      %select_n3A_122 = arith.select %lt3A_119, %get3A_120, %broadcast_in_dim3A : vector<16xi1>, vector<16xf32>
      %swap3A = arith.constant 0 : index
      %swap3A_123 = tpu.vector_load %arg10[%swap3A] {strides = array<i32>} : memref<16xf32, #tpu.memory_space<vmem>>, vector<16xf32>,
      tpu.vector_store %arg10[%swap3A], %select_n3A_122 {strides = array<i32>} : memref<16xf32, #tpu.memory_space<vmem>>, vector<16xf32>,
      %broadcast_in_dim3A_124 = vector.broadcast %add3A_39 : i32 to vector<16xi32>
      %broadcast_in_dim3A_125 = vector.broadcast %select_n3A_49 : i32 to vector<16xi32>
      %scan3A_126 = arith.constant 0 : i32
      %scan3A_127 = arith.constant 50 : i32
      %scan3A_128 = arith.addi %scan3A_126, %scan3A_127 : i32
      %scan3A_129 = arith.constant 1 : i32
      scf.for %scan3A_272 = %scan3A_126 to %scan3A_128 step %scan3A_129  : i32 {
        %mul3A_273 = arith.constant 1 : i32
        %mul3A_274 = arith.muli %scan3A_272, %mul3A_273 : i32
        %add3A_275 = arith.constant 0 : i32
        %add3A_276 = arith.addi %add3A_275, %mul3A_274 : i32
        %get3A_277 = arith.constant 0 : index
        %get3A_278 = tpu.vector_load %arg10[%get3A_277] {strides = array<i32>} : memref<16xf32, #tpu.memory_space<vmem>>, vector<16xf32>,
        %reduce_max3A = arith.constant true
        %reduce_max3A_279 = vector.broadcast %reduce_max3A : i1 to vector<16xi1>
        %reduce_max3A_280 = tpu.scan <max>, %get3A_278 masked %reduce_max3A_279 : vector<16xf32>, vector<16xi1> -> vector<16xf32>
        %reduce_max3A_281 = vector.extract %reduce_max3A_280[15] : f32 from vector<16xf32>
        %broadcast_in_dim3A_282 = vector.broadcast %reduce_max3A_281 : f32 to vector<16xf32>
        %eq3A_283 = arith.cmpf oeq, %get3A_278, %broadcast_in_dim3A_282 : vector<16xf32>
        %all_reduce_ffs3A = tpu.all_reduce %eq3A_283 {dim = 0 : i64, kind = #tpu.reduction_kind<find_first_set>} : vector<16xi1> -> vector<16xi32>
        %mul3A_284 = arith.constant 16 : i32
        %mul3A_285 = vector.broadcast %mul3A_284 : i32 to vector<16xi32>
        %mul3A_286 = arith.muli %all_reduce_ffs3A, %mul3A_285 : vector<16xi32>
        %add3A_287 = arith.addi %mul3A_286, %iota3A : vector<16xi32>
        %gather3A = tpu.vector_load_idx %arg9[%add3A_287] : memref<256xf32, #tpu.memory_space<vmem>>[vector<16xi32>], vector<16xf32>,
        %eq3A_288 = arith.cmpf oeq, %gather3A, %broadcast_in_dim3A_282 : vector<16xf32>
        %all_reduce_ffs3A_289 = tpu.all_reduce %eq3A_288 {dim = 0 : i64, kind = #tpu.reduction_kind<find_first_set>} : vector<16xi1> -> vector<16xi32>
        %mul3A_290 = arith.constant 16 : i32
        %mul3A_291 = vector.broadcast %mul3A_290 : i32 to vector<16xi32>
        %mul3A_292 = arith.muli %all_reduce_ffs3A, %mul3A_291 : vector<16xi32>
        %add3A_293 = arith.addi %mul3A_292, %all_reduce_ffs3A_289 : vector<16xi32>
        %mul3A_294 = arith.constant 16 : i32
        %mul3A_295 = vector.broadcast %mul3A_294 : i32 to vector<16xi32>
        %mul3A_296 = arith.muli %add3A_293, %mul3A_295 : vector<16xi32>
        %add3A_297 = arith.addi %mul3A_296, %iota3A : vector<16xi32>
        %gather3A_298 = tpu.vector_load_idx %arg7[%add3A_297] : memref<4096xf32, #tpu.memory_space<vmem>>[vector<16xi32>], vector<16xf32>,
        %eq3A_299 = arith.cmpf oeq, %gather3A_298, %broadcast_in_dim3A_282 : vector<16xf32>
        %all_reduce_ffs3A_300 = tpu.all_reduce %eq3A_299 {dim = 0 : i64, kind = #tpu.reduction_kind<find_first_set>} : vector<16xi1> -> vector<16xi32>
        %add3A_301 = arith.addi %mul3A_296, %all_reduce_ffs3A_300 : vector<16xi32>
        %broadcast_in_dim3A_302 = vector.broadcast %add3A_276 : i32 to vector<16xi32>
        %le3A = arith.constant -1.000000e+30 : f32
        %le3A_303 = vector.broadcast %le3A : f32 to vector<16xf32>
        %le3A_304 = arith.cmpf ole, %broadcast_in_dim3A_282, %le3A_303 : vector<16xf32>
        tpu.vector_store_idx %arg11[%broadcast_in_dim3A_125, %broadcast_in_dim3A_302], %add3A_301 masked %eq3A_2 : memref<8x64xi32, #tpu.memory_space<vmem>>[vector<16xi32>, vector<16xi32>], vector<16xi32>, vector<16xi1>
        %broadcast_in_dim3A_305 = vector.broadcast %scan3A : f32 to vector<16xf32>
        %select_n3A_306 = arith.select %le3A_304, %broadcast_in_dim3A_305, %broadcast_in_dim3A_282 : vector<16xi1>, vector<16xf32>
        tpu.vector_store_idx %arg12[%broadcast_in_dim3A_125, %broadcast_in_dim3A_302], %select_n3A_306 masked %eq3A_2 : memref<8x64xf32, #tpu.memory_space<vmem>>[vector<16xi32>, vector<16xi32>], vector<16xf32>, vector<16xi1>
        %sub3A_307 = arith.subi %broadcast_in_dim3A_124, %add3A_301 : vector<16xi32>
        tpu.vector_store_idx %arg13[%broadcast_in_dim3A_125, %broadcast_in_dim3A_302], %sub3A_307 masked %eq3A_2 : memref<8x64xi32, #tpu.memory_space<vmem>>[vector<16xi32>, vector<16xi32>], vector<16xi32>, vector<16xi1>
        %jit3A_308 = arith.constant 0 : i32
        %jit3A_309 = arith.constant 1 : i32
        %broadcast_in_dim3A_310 = vector.broadcast %jit3A_308 : i32 to vector<16xi32>
        %broadcast_in_dim3A_311 = vector.broadcast %jit3A_309 : i32 to vector<16xi32>
        %select_n3A_312 = arith.select %le3A_304, %broadcast_in_dim3A_310, %broadcast_in_dim3A_311 : vector<16xi1>, vector<16xi32>
        tpu.vector_store_idx %arg14[%broadcast_in_dim3A_125, %broadcast_in_dim3A_302], %select_n3A_312 masked %eq3A_2 : memref<8x64xi32, #tpu.memory_space<vmem>>[vector<16xi32>, vector<16xi32>], vector<16xi32>, vector<16xi1>
        %eq3A_313 = arith.cmpi eq, %iota3A, %all_reduce_ffs3A_300 : vector<16xi32>
        %jit3A_314 = arith.constant -3.000000e+38 : f32
        %broadcast_in_dim3A_315 = vector.broadcast %jit3A_314 : f32 to vector<16xf32>
        %select_n3A_316 = arith.select %eq3A_313, %broadcast_in_dim3A_315, %gather3A_298 : vector<16xi1>, vector<16xf32>
        %add3A_317 = arith.addi %mul3A_296, %iota3A : vector<16xi32>
        tpu.vector_store_idx %arg7[%add3A_317], %select_n3A_316 : memref<4096xf32, #tpu.memory_space<vmem>>[vector<16xi32>], vector<16xf32>,
        %reduce_max3A_318 = arith.constant true
        %reduce_max3A_319 = vector.broadcast %reduce_max3A_318 : i1 to vector<16xi1>
        %reduce_max3A_320 = tpu.scan <max>, %select_n3A_316 masked %reduce_max3A_319 : vector<16xf32>, vector<16xi1> -> vector<16xf32>
        %reduce_max3A_321 = vector.extract %reduce_max3A_320[15] : f32 from vector<16xf32>
        %broadcast_in_dim3A_322 = vector.broadcast %reduce_max3A_321 : f32 to vector<16xf32>
        %mul3A_323 = arith.constant 16 : i32
        %mul3A_324 = vector.broadcast %mul3A_323 : i32 to vector<16xi32>
        %mul3A_325 = arith.muli %all_reduce_ffs3A, %mul3A_324 : vector<16xi32>
        %add3A_326 = arith.addi %mul3A_325, %all_reduce_ffs3A_289 : vector<16xi32>
        tpu.vector_store_idx %arg9[%add3A_326], %broadcast_in_dim3A_322 masked %eq3A_2 : memref<256xf32, #tpu.memory_space<vmem>>[vector<16xi32>], vector<16xf32>, vector<16xi1>
        %eq3A_327 = arith.cmpi eq, %iota3A, %all_reduce_ffs3A_289 : vector<16xi32>
        %select_n3A_328 = arith.select %eq3A_327, %broadcast_in_dim3A_322, %gather3A : vector<16xi1>, vector<16xf32>
        %reduce_max3A_329 = arith.constant true
        %reduce_max3A_330 = vector.broadcast %reduce_max3A_329 : i1 to vector<16xi1>
        %reduce_max3A_331 = tpu.scan <max>, %select_n3A_328 masked %reduce_max3A_330 : vector<16xf32>, vector<16xi1> -> vector<16xf32>
        %reduce_max3A_332 = vector.extract %reduce_max3A_331[15] : f32 from vector<16xf32>
        %broadcast_in_dim3A_333 = vector.broadcast %reduce_max3A_332 : f32 to vector<16xf32>
        tpu.vector_store_idx %arg10[%all_reduce_ffs3A], %broadcast_in_dim3A_333 masked %eq3A_2 : memref<16xf32, #tpu.memory_space<vmem>>[vector<16xi32>], vector<16xf32>, vector<16xi1>
      }
      %scan3A_130 = arith.constant 50 : i32
      %add3A_131 = arith.constant 2 : i32
      %add3A_132 = arith.addi %mul3A_19, %add3A_131 : i32
      %lt3A_133 = arith.constant 128 : i32
      %lt3A_134 = arith.cmpi slt, %add3A_132, %lt3A_133 : i32
      %convert_element_type3A = arith.extui %lt3A_134 : i1 to i32
      %cond3A = arith.constant 0 : i32
      %cond3A_135 = arith.cmpi ne, %convert_element_type3A, %cond3A : i32
      scf.if %cond3A_135 {
        %add3A_272 = arith.constant 2 : i32
        %add3A_273 = arith.addi %mul3A_19, %add3A_272 : i32
        %mul3A_274 = arith.constant 32 : i32
        %mul3A_275 = arith.muli %add3A_273, %mul3A_274 : i32
        %add3A_276 = arith.addi %mul3A_275, %add3A : i32
        %dma_start3A_277 = arith.constant 0 : i32
        %dma_start3A_278 = tpu.memref_slice %arg2[%add3A_276, %dma_start3A_277] : memref<4096x4096xf32, #tpu.memory_space<hbm>> -> memref<1x4096xf32, #tpu.memory_space<hbm>>
        %dma_start3A_279 = tpu.memref_squeeze %dma_start3A_278 : memref<1x4096xf32, #tpu.memory_space<hbm>> -> memref<4096xf32, #tpu.memory_space<hbm>>
        %dma_start3A_280 = arith.constant 0 : i32
        %dma_start3A_281 = tpu.memref_slice %arg2[%add3A_276, %dma_start3A_280] : memref<4096x4096xf32, #tpu.memory_space<hbm>> -> memref<1x4096xf32, #tpu.memory_space<hbm>>
        %dma_start3A_282 = tpu.memref_squeeze %dma_start3A_281 : memref<1x4096xf32, #tpu.memory_space<hbm>> -> memref<4096xf32, #tpu.memory_space<hbm>>
        tpu.enqueue_dma source(%dma_start3A_282 : memref<4096xf32, #tpu.memory_space<hbm>>) target(%arg7 : memref<4096xf32, #tpu.memory_space<vmem>>) target_semaphore(%arg15 : memref<!tpu.dma_semaphore, #tpu.memory_space<semaphore_mem>>)
      } else {
      }
      %dma_wait3A_136 = arith.constant 0 : i32
      %dma_wait3A_137 = arith.constant 0 : i32
      %dma_wait3A_138 = tpu.memref_slice %arg2[%dma_wait3A_136, %dma_wait3A_137] : memref<4096x4096xf32, #tpu.memory_space<hbm>> -> memref<1x4096xf32, #tpu.memory_space<hbm>>
      %dma_wait3A_139 = tpu.memref_squeeze %dma_wait3A_138 : memref<1x4096xf32, #tpu.memory_space<hbm>> -> memref<4096xf32, #tpu.memory_space<hbm>>
      %dma_wait3A_140 = arith.constant 0 : i32
      %dma_wait3A_141 = tpu.memref_slice %arg2[%dma_wait3A_136, %dma_wait3A_140] : memref<4096x4096xf32, #tpu.memory_space<hbm>> -> memref<1x4096xf32, #tpu.memory_space<hbm>>
      %dma_wait3A_142 = tpu.memref_squeeze %dma_wait3A_141 : memref<1x4096xf32, #tpu.memory_space<hbm>> -> memref<4096xf32, #tpu.memory_space<hbm>>
      tpu.wait_dma2 semaphore(%arg16 : memref<!tpu.dma_semaphore, #tpu.memory_space<semaphore_mem>>) src(%dma_wait3A_142 : memref<4096xf32, #tpu.memory_space<hbm>>) dst(%arg8 : memref<4096xf32, #tpu.memory_space<vmem>>)
      %mul3A_143 = arith.constant 32 : i32
      %mul3A_144 = arith.muli %add3A_21, %mul3A_143 : i32
      %add3A_145 = arith.addi %mul3A_144, %add3A : i32
      %jit3A_146 = arith.constant 8 : i32
      %eq3A_147 = arith.constant 0 : i32
      %eq3A_148 = arith.cmpi eq, %jit3A_146, %eq3A_147 : i32
      %jit3A_149 = arith.constant 1 : i32
      %select_n3A_150 = arith.select %eq3A_148, %jit3A_149, %jit3A_146 : i32
      %rem3A_151 = arith.remsi %add3A_21, %select_n3A_150 : i32
      %ne3A_152 = arith.constant 0 : i32
      %ne3A_153 = arith.cmpi ne, %rem3A_151, %ne3A_152 : i32
      %lt3A_154 = arith.constant 0 : i32
      %lt3A_155 = arith.cmpi slt, %rem3A_151, %lt3A_154 : i32
      %lt3A_156 = arith.constant 0 : i32
      %lt3A_157 = arith.cmpi slt, %select_n3A_150, %lt3A_156 : i32
      %ne3A_158 = arith.xori %lt3A_155, %lt3A_157 : i1
      %and3A_159 = arith.andi %ne3A_158, %ne3A_153 : i1
      %add3A_160 = arith.addi %rem3A_151, %select_n3A_150 : i32
      %select_n3A_161 = arith.select %and3A_159, %add3A_160, %rem3A_151 : i32
      %max3A_162 = arith.constant 50 : i32
      %max3A_163 = arith.maxsi %add3A_145, %max3A_162 : i32
      %add3A_164 = arith.constant 15 : i32
      %add3A_165 = arith.addi %max3A_163, %add3A_164 : i32
      %jit3A_166 = arith.constant 16 : i32
      %div3A_167 = arith.divsi %add3A_165, %jit3A_166 : i32
      %sign3A_168 = arith.constant 0 : i32
      %sign3A_169 = arith.cmpi sgt, %add3A_165, %sign3A_168 : i32
      %sign3A_170 = arith.extui %sign3A_169 : i1 to i32
      %sign3A_171 = arith.constant 0 : i32
      %sign3A_172 = arith.cmpi slt, %add3A_165, %sign3A_171 : i32
      %sign3A_173 = arith.extui %sign3A_172 : i1 to i32
      %sign3A_174 = arith.subi %sign3A_170, %sign3A_173 : i32
      %sign3A_175 = arith.constant 0 : i32
      %sign3A_176 = arith.cmpi sgt, %jit3A_166, %sign3A_175 : i32
      %sign3A_177 = arith.extui %sign3A_176 : i1 to i32
      %sign3A_178 = arith.constant 0 : i32
      %sign3A_179 = arith.cmpi slt, %jit3A_166, %sign3A_178 : i32
      %sign3A_180 = arith.extui %sign3A_179 : i1 to i32
      %sign3A_181 = arith.subi %sign3A_177, %sign3A_180 : i32
      %ne3A_182 = arith.cmpi ne, %sign3A_174, %sign3A_181 : i32
      %rem3A_183 = arith.remsi %add3A_165, %jit3A_166 : i32
      %ne3A_184 = arith.constant 0 : i32
      %ne3A_185 = arith.cmpi ne, %rem3A_183, %ne3A_184 : i32
      %and3A_186 = arith.andi %ne3A_182, %ne3A_185 : i1
      %sub3A_187 = arith.constant 1 : i32
      %sub3A_188 = arith.subi %div3A_167, %sub3A_187 : i32
      %select_n3A_189 = arith.select %and3A_186, %sub3A_188, %div3A_167 : i32
      %add3A_190 = arith.constant 15 : i32
      %add3A_191 = arith.addi %select_n3A_189, %add3A_190 : i32
      %jit3A_192 = arith.constant 16 : i32
      %div3A_193 = arith.divsi %add3A_191, %jit3A_192 : i32
      %sign3A_194 = arith.constant 0 : i32
      %sign3A_195 = arith.cmpi sgt, %add3A_191, %sign3A_194 : i32
      %sign3A_196 = arith.extui %sign3A_195 : i1 to i32
      %sign3A_197 = arith.constant 0 : i32
      %sign3A_198 = arith.cmpi slt, %add3A_191, %sign3A_197 : i32
      %sign3A_199 = arith.extui %sign3A_198 : i1 to i32
      %sign3A_200 = arith.subi %sign3A_196, %sign3A_199 : i32
      %sign3A_201 = arith.constant 0 : i32
      %sign3A_202 = arith.cmpi sgt, %jit3A_192, %sign3A_201 : i32
      %sign3A_203 = arith.extui %sign3A_202 : i1 to i32
      %sign3A_204 = arith.constant 0 : i32
      %sign3A_205 = arith.cmpi slt, %jit3A_192, %sign3A_204 : i32
      %sign3A_206 = arith.extui %sign3A_205 : i1 to i32
      %sign3A_207 = arith.subi %sign3A_203, %sign3A_206 : i32
      %ne3A_208 = arith.cmpi ne, %sign3A_200, %sign3A_207 : i32
      %rem3A_209 = arith.remsi %add3A_191, %jit3A_192 : i32
      %ne3A_210 = arith.constant 0 : i32
      %ne3A_211 = arith.cmpi ne, %rem3A_209, %ne3A_210 : i32
      %and3A_212 = arith.andi %ne3A_208, %ne3A_211 : i1
      %sub3A_213 = arith.constant 1 : i32
      %sub3A_214 = arith.subi %div3A_193, %sub3A_213 : i32
      %select_n3A_215 = arith.select %and3A_212, %sub3A_214, %div3A_193 : i32
      %sub3A_216 = arith.constant 0 : i32
      %sub3A_217 = arith.subi %select_n3A_215, %sub3A_216 : i32
      %sub3A_218 = arith.constant 1 : i32
      %sub3A_219 = arith.constant 1 : i32
      %sub3A_220 = arith.subi %sub3A_218, %sub3A_219 : i32
      %add3A_221 = arith.addi %sub3A_217, %sub3A_220 : i32
      %div3A_222 = arith.constant 1 : i32
      %div3A_223 = arith.divsi %add3A_221, %div3A_222 : i32
      %while3A_224 = arith.constant 1 : i32
      %while3A_225 = arith.constant 0 : i32
      %while3A_226 = arith.constant 0 : i32
      %while3A_227 = arith.subi %div3A_223, %while3A_226 : i32
      %while3A_228 = arith.addi %while3A_226, %while3A_227 : i32
      %while3A_229 = arith.constant 1 : i32
      %while3A_230 = arith.divsi %while3A_227, %while3A_229 : i32
      %while3A_231 = arith.muli %while3A_230, %while3A_229 : i32
      %while3A_232 = arith.addi %while3A_226, %while3A_231 : i32
      %while3A_233 = arith.constant 1 : i32
      scf.for %while3A_272 = %while3A_226 to %while3A_232 step %while3A_233  : i32 {
        %mul3A_273 = arith.muli %while3A_272, %while3A_224 : i32
        %add3A_274 = arith.addi %while3A_225, %mul3A_273 : i32
        %mul3A_275 = arith.constant 256 : i32
        %mul3A_276 = arith.muli %add3A_274, %mul3A_275 : i32
        %mul3A_277 = arith.constant 16 : i32
        %mul3A_278 = vector.broadcast %mul3A_277 : i32 to vector<16xi32>
        %mul3A_279 = arith.muli %iota3A, %mul3A_278 : vector<16xi32>
        %add3A_280 = vector.broadcast %mul3A_276 : i32 to vector<16xi32>
        %add3A_281 = arith.addi %add3A_280, %mul3A_279 : vector<16xi32>
        %gather3A = tpu.vector_load_idx %arg8[%add3A_281] : memref<4096xf32, #tpu.memory_space<vmem>>[vector<16xi32>], vector<16xf32>,
        %add3A_282 = arith.constant 1 : i32
        %add3A_283 = vector.broadcast %add3A_282 : i32 to vector<16xi32>
        %add3A_284 = arith.addi %add3A_281, %add3A_283 : vector<16xi32>
        %gather3A_285 = tpu.vector_load_idx %arg8[%add3A_284] : memref<4096xf32, #tpu.memory_space<vmem>>[vector<16xi32>], vector<16xf32>,
        %max3A_286 = arith.maximumf %gather3A, %gather3A_285 : vector<16xf32>
        %add3A_287 = arith.constant 2 : i32
        %add3A_288 = vector.broadcast %add3A_287 : i32 to vector<16xi32>
        %add3A_289 = arith.addi %add3A_281, %add3A_288 : vector<16xi32>
        %gather3A_290 = tpu.vector_load_idx %arg8[%add3A_289] : memref<4096xf32, #tpu.memory_space<vmem>>[vector<16xi32>], vector<16xf32>,
        %max3A_291 = arith.maximumf %max3A_286, %gather3A_290 : vector<16xf32>
        %add3A_292 = arith.constant 3 : i32
        %add3A_293 = vector.broadcast %add3A_292 : i32 to vector<16xi32>
        %add3A_294 = arith.addi %add3A_281, %add3A_293 : vector<16xi32>
        %gather3A_295 = tpu.vector_load_idx %arg8[%add3A_294] : memref<4096xf32, #tpu.memory_space<vmem>>[vector<16xi32>], vector<16xf32>,
        %max3A_296 = arith.maximumf %max3A_291, %gather3A_295 : vector<16xf32>
        %add3A_297 = arith.constant 4 : i32
        %add3A_298 = vector.broadcast %add3A_297 : i32 to vector<16xi32>
        %add3A_299 = arith.addi %add3A_281, %add3A_298 : vector<16xi32>
        %gather3A_300 = tpu.vector_load_idx %arg8[%add3A_299] : memref<4096xf32, #tpu.memory_space<vmem>>[vector<16xi32>], vector<16xf32>,
        %max3A_301 = arith.maximumf %max3A_296, %gather3A_300 : vector<16xf32>
        %add3A_302 = arith.constant 5 : i32
        %add3A_303 = vector.broadcast %add3A_302 : i32 to vector<16xi32>
        %add3A_304 = arith.addi %add3A_281, %add3A_303 : vector<16xi32>
        %gather3A_305 = tpu.vector_load_idx %arg8[%add3A_304] : memref<4096xf32, #tpu.memory_space<vmem>>[vector<16xi32>], vector<16xf32>,
        %max3A_306 = arith.maximumf %max3A_301, %gather3A_305 : vector<16xf32>
        %add3A_307 = arith.constant 6 : i32
        %add3A_308 = vector.broadcast %add3A_307 : i32 to vector<16xi32>
        %add3A_309 = arith.addi %add3A_281, %add3A_308 : vector<16xi32>
        %gather3A_310 = tpu.vector_load_idx %arg8[%add3A_309] : memref<4096xf32, #tpu.memory_space<vmem>>[vector<16xi32>], vector<16xf32>,
        %max3A_311 = arith.maximumf %max3A_306, %gather3A_310 : vector<16xf32>
        %add3A_312 = arith.constant 7 : i32
        %add3A_313 = vector.broadcast %add3A_312 : i32 to vector<16xi32>
        %add3A_314 = arith.addi %add3A_281, %add3A_313 : vector<16xi32>
        %gather3A_315 = tpu.vector_load_idx %arg8[%add3A_314] : memref<4096xf32, #tpu.memory_space<vmem>>[vector<16xi32>], vector<16xf32>,
        %max3A_316 = arith.maximumf %max3A_311, %gather3A_315 : vector<16xf32>
        %add3A_317 = arith.constant 8 : i32
        %add3A_318 = vector.broadcast %add3A_317 : i32 to vector<16xi32>
        %add3A_319 = arith.addi %add3A_281, %add3A_318 : vector<16xi32>
        %gather3A_320 = tpu.vector_load_idx %arg8[%add3A_319] : memref<4096xf32, #tpu.memory_space<vmem>>[vector<16xi32>], vector<16xf32>,
        %max3A_321 = arith.maximumf %max3A_316, %gather3A_320 : vector<16xf32>
        %add3A_322 = arith.constant 9 : i32
        %add3A_323 = vector.broadcast %add3A_322 : i32 to vector<16xi32>
        %add3A_324 = arith.addi %add3A_281, %add3A_323 : vector<16xi32>
        %gather3A_325 = tpu.vector_load_idx %arg8[%add3A_324] : memref<4096xf32, #tpu.memory_space<vmem>>[vector<16xi32>], vector<16xf32>,
        %max3A_326 = arith.maximumf %max3A_321, %gather3A_325 : vector<16xf32>
        %add3A_327 = arith.constant 10 : i32
        %add3A_328 = vector.broadcast %add3A_327 : i32 to vector<16xi32>
        %add3A_329 = arith.addi %add3A_281, %add3A_328 : vector<16xi32>
        %gather3A_330 = tpu.vector_load_idx %arg8[%add3A_329] : memref<4096xf32, #tpu.memory_space<vmem>>[vector<16xi32>], vector<16xf32>,
        %max3A_331 = arith.maximumf %max3A_326, %gather3A_330 : vector<16xf32>
        %add3A_332 = arith.constant 11 : i32
        %add3A_333 = vector.broadcast %add3A_332 : i32 to vector<16xi32>
        %add3A_334 = arith.addi %add3A_281, %add3A_333 : vector<16xi32>
        %gather3A_335 = tpu.vector_load_idx %arg8[%add3A_334] : memref<4096xf32, #tpu.memory_space<vmem>>[vector<16xi32>], vector<16xf32>,
        %max3A_336 = arith.maximumf %max3A_331, %gather3A_335 : vector<16xf32>
        %add3A_337 = arith.constant 12 : i32
        %add3A_338 = vector.broadcast %add3A_337 : i32 to vector<16xi32>
        %add3A_339 = arith.addi %add3A_281, %add3A_338 : vector<16xi32>
        %gather3A_340 = tpu.vector_load_idx %arg8[%add3A_339] : memref<4096xf32, #tpu.memory_space<vmem>>[vector<16xi32>], vector<16xf32>,
        %max3A_341 = arith.maximumf %max3A_336, %gather3A_340 : vector<16xf32>
        %add3A_342 = arith.constant 13 : i32
        %add3A_343 = vector.broadcast %add3A_342 : i32 to vector<16xi32>
        %add3A_344 = arith.addi %add3A_281, %add3A_343 : vector<16xi32>
        %gather3A_345 = tpu.vector_load_idx %arg8[%add3A_344] : memref<4096xf32, #tpu.memory_space<vmem>>[vector<16xi32>], vector<16xf32>,
        %max3A_346 = arith.maximumf %max3A_341, %gather3A_345 : vector<16xf32>
        %add3A_347 = arith.constant 14 : i32
        %add3A_348 = vector.broadcast %add3A_347 : i32 to vector<16xi32>
        %add3A_349 = arith.addi %add3A_281, %add3A_348 : vector<16xi32>
        %gather3A_350 = tpu.vector_load_idx %arg8[%add3A_349] : memref<4096xf32, #tpu.memory_space<vmem>>[vector<16xi32>], vector<16xf32>,
        %max3A_351 = arith.maximumf %max3A_346, %gather3A_350 : vector<16xf32>
        %add3A_352 = arith.constant 15 : i32
        %add3A_353 = vector.broadcast %add3A_352 : i32 to vector<16xi32>
        %add3A_354 = arith.addi %add3A_281, %add3A_353 : vector<16xi32>
        %gather3A_355 = tpu.vector_load_idx %arg8[%add3A_354] : memref<4096xf32, #tpu.memory_space<vmem>>[vector<16xi32>], vector<16xf32>,
        %max3A_356 = arith.maximumf %max3A_351, %gather3A_355 : vector<16xf32>
        %mul3A_357 = arith.constant 16 : i32
        %mul3A_358 = arith.muli %add3A_274, %mul3A_357 : i32
        %add3A_359 = vector.broadcast %mul3A_358 : i32 to vector<16xi32>
        %add3A_360 = arith.addi %add3A_359, %iota3A : vector<16xi32>
        tpu.vector_store_idx %arg9[%add3A_360], %max3A_356 : memref<256xf32, #tpu.memory_space<vmem>>[vector<16xi32>], vector<16xf32>,
        %broadcast_in_dim3A_361 = vector.broadcast %add3A_274 : i32 to vector<16xi32>
        %reduce_max3A = arith.constant true
        %reduce_max3A_362 = vector.broadcast %reduce_max3A : i1 to vector<16xi1>
        %reduce_max3A_363 = tpu.scan <max>, %max3A_356 masked %reduce_max3A_362 : vector<16xf32>, vector<16xi1> -> vector<16xf32>
        %reduce_max3A_364 = vector.extract %reduce_max3A_363[15] : f32 from vector<16xf32>
        %broadcast_in_dim3A_365 = vector.broadcast %reduce_max3A_364 : f32 to vector<16xf32>
        tpu.vector_store_idx %arg10[%broadcast_in_dim3A_361], %broadcast_in_dim3A_365 masked %eq3A_2 : memref<16xf32, #tpu.memory_space<vmem>>[vector<16xi32>], vector<16xf32>, vector<16xi1>
      }
      %while3A_234 = arith.constant 1 : i32
      scf.for %while3A_272 = %while3A_232 to %while3A_228 step %while3A_234  : i32 {
        %mul3A_273 = arith.muli %while3A_272, %while3A_224 : i32
        %add3A_274 = arith.addi %while3A_225, %mul3A_273 : i32
        %mul3A_275 = arith.constant 256 : i32
        %mul3A_276 = arith.muli %add3A_274, %mul3A_275 : i32
        %mul3A_277 = arith.constant 16 : i32
        %mul3A_278 = vector.broadcast %mul3A_277 : i32 to vector<16xi32>
        %mul3A_279 = arith.muli %iota3A, %mul3A_278 : vector<16xi32>
        %add3A_280 = vector.broadcast %mul3A_276 : i32 to vector<16xi32>
        %add3A_281 = arith.addi %add3A_280, %mul3A_279 : vector<16xi32>
        %gather3A = tpu.vector_load_idx %arg8[%add3A_281] : memref<4096xf32, #tpu.memory_space<vmem>>[vector<16xi32>], vector<16xf32>,
        %add3A_282 = arith.constant 1 : i32
        %add3A_283 = vector.broadcast %add3A_282 : i32 to vector<16xi32>
        %add3A_284 = arith.addi %add3A_281, %add3A_283 : vector<16xi32>
        %gather3A_285 = tpu.vector_load_idx %arg8[%add3A_284] : memref<4096xf32, #tpu.memory_space<vmem>>[vector<16xi32>], vector<16xf32>,
        %max3A_286 = arith.maximumf %gather3A, %gather3A_285 : vector<16xf32>
        %add3A_287 = arith.constant 2 : i32
        %add3A_288 = vector.broadcast %add3A_287 : i32 to vector<16xi32>
        %add3A_289 = arith.addi %add3A_281, %add3A_288 : vector<16xi32>
        %gather3A_290 = tpu.vector_load_idx %arg8[%add3A_289] : memref<4096xf32, #tpu.memory_space<vmem>>[vector<16xi32>], vector<16xf32>,
        %max3A_291 = arith.maximumf %max3A_286, %gather3A_290 : vector<16xf32>
        %add3A_292 = arith.constant 3 : i32
        %add3A_293 = vector.broadcast %add3A_292 : i32 to vector<16xi32>
        %add3A_294 = arith.addi %add3A_281, %add3A_293 : vector<16xi32>
        %gather3A_295 = tpu.vector_load_idx %arg8[%add3A_294] : memref<4096xf32, #tpu.memory_space<vmem>>[vector<16xi32>], vector<16xf32>,
        %max3A_296 = arith.maximumf %max3A_291, %gather3A_295 : vector<16xf32>
        %add3A_297 = arith.constant 4 : i32
        %add3A_298 = vector.broadcast %add3A_297 : i32 to vector<16xi32>
        %add3A_299 = arith.addi %add3A_281, %add3A_298 : vector<16xi32>
        %gather3A_300 = tpu.vector_load_idx %arg8[%add3A_299] : memref<4096xf32, #tpu.memory_space<vmem>>[vector<16xi32>], vector<16xf32>,
        %max3A_301 = arith.maximumf %max3A_296, %gather3A_300 : vector<16xf32>
        %add3A_302 = arith.constant 5 : i32
        %add3A_303 = vector.broadcast %add3A_302 : i32 to vector<16xi32>
        %add3A_304 = arith.addi %add3A_281, %add3A_303 : vector<16xi32>
        %gather3A_305 = tpu.vector_load_idx %arg8[%add3A_304] : memref<4096xf32, #tpu.memory_space<vmem>>[vector<16xi32>], vector<16xf32>,
        %max3A_306 = arith.maximumf %max3A_301, %gather3A_305 : vector<16xf32>
        %add3A_307 = arith.constant 6 : i32
        %add3A_308 = vector.broadcast %add3A_307 : i32 to vector<16xi32>
        %add3A_309 = arith.addi %add3A_281, %add3A_308 : vector<16xi32>
        %gather3A_310 = tpu.vector_load_idx %arg8[%add3A_309] : memref<4096xf32, #tpu.memory_space<vmem>>[vector<16xi32>], vector<16xf32>,
        %max3A_311 = arith.maximumf %max3A_306, %gather3A_310 : vector<16xf32>
        %add3A_312 = arith.constant 7 : i32
        %add3A_313 = vector.broadcast %add3A_312 : i32 to vector<16xi32>
        %add3A_314 = arith.addi %add3A_281, %add3A_313 : vector<16xi32>
        %gather3A_315 = tpu.vector_load_idx %arg8[%add3A_314] : memref<4096xf32, #tpu.memory_space<vmem>>[vector<16xi32>], vector<16xf32>,
        %max3A_316 = arith.maximumf %max3A_311, %gather3A_315 : vector<16xf32>
        %add3A_317 = arith.constant 8 : i32
        %add3A_318 = vector.broadcast %add3A_317 : i32 to vector<16xi32>
        %add3A_319 = arith.addi %add3A_281, %add3A_318 : vector<16xi32>
        %gather3A_320 = tpu.vector_load_idx %arg8[%add3A_319] : memref<4096xf32, #tpu.memory_space<vmem>>[vector<16xi32>], vector<16xf32>,
        %max3A_321 = arith.maximumf %max3A_316, %gather3A_320 : vector<16xf32>
        %add3A_322 = arith.constant 9 : i32
        %add3A_323 = vector.broadcast %add3A_322 : i32 to vector<16xi32>
        %add3A_324 = arith.addi %add3A_281, %add3A_323 : vector<16xi32>
        %gather3A_325 = tpu.vector_load_idx %arg8[%add3A_324] : memref<4096xf32, #tpu.memory_space<vmem>>[vector<16xi32>], vector<16xf32>,
        %max3A_326 = arith.maximumf %max3A_321, %gather3A_325 : vector<16xf32>
        %add3A_327 = arith.constant 10 : i32
        %add3A_328 = vector.broadcast %add3A_327 : i32 to vector<16xi32>
        %add3A_329 = arith.addi %add3A_281, %add3A_328 : vector<16xi32>
        %gather3A_330 = tpu.vector_load_idx %arg8[%add3A_329] : memref<4096xf32, #tpu.memory_space<vmem>>[vector<16xi32>], vector<16xf32>,
        %max3A_331 = arith.maximumf %max3A_326, %gather3A_330 : vector<16xf32>
        %add3A_332 = arith.constant 11 : i32
        %add3A_333 = vector.broadcast %add3A_332 : i32 to vector<16xi32>
        %add3A_334 = arith.addi %add3A_281, %add3A_333 : vector<16xi32>
        %gather3A_335 = tpu.vector_load_idx %arg8[%add3A_334] : memref<4096xf32, #tpu.memory_space<vmem>>[vector<16xi32>], vector<16xf32>,
        %max3A_336 = arith.maximumf %max3A_331, %gather3A_335 : vector<16xf32>
        %add3A_337 = arith.constant 12 : i32
        %add3A_338 = vector.broadcast %add3A_337 : i32 to vector<16xi32>
        %add3A_339 = arith.addi %add3A_281, %add3A_338 : vector<16xi32>
        %gather3A_340 = tpu.vector_load_idx %arg8[%add3A_339] : memref<4096xf32, #tpu.memory_space<vmem>>[vector<16xi32>], vector<16xf32>,
        %max3A_341 = arith.maximumf %max3A_336, %gather3A_340 : vector<16xf32>
        %add3A_342 = arith.constant 13 : i32
        %add3A_343 = vector.broadcast %add3A_342 : i32 to vector<16xi32>
        %add3A_344 = arith.addi %add3A_281, %add3A_343 : vector<16xi32>
        %gather3A_345 = tpu.vector_load_idx %arg8[%add3A_344] : memref<4096xf32, #tpu.memory_space<vmem>>[vector<16xi32>], vector<16xf32>,
        %max3A_346 = arith.maximumf %max3A_341, %gather3A_345 : vector<16xf32>
        %add3A_347 = arith.constant 14 : i32
        %add3A_348 = vector.broadcast %add3A_347 : i32 to vector<16xi32>
        %add3A_349 = arith.addi %add3A_281, %add3A_348 : vector<16xi32>
        %gather3A_350 = tpu.vector_load_idx %arg8[%add3A_349] : memref<4096xf32, #tpu.memory_space<vmem>>[vector<16xi32>], vector<16xf32>,
        %max3A_351 = arith.maximumf %max3A_346, %gather3A_350 : vector<16xf32>
        %add3A_352 = arith.constant 15 : i32
        %add3A_353 = vector.broadcast %add3A_352 : i32 to vector<16xi32>
        %add3A_354 = arith.addi %add3A_281, %add3A_353 : vector<16xi32>
        %gather3A_355 = tpu.vector_load_idx %arg8[%add3A_354] : memref<4096xf32, #tpu.memory_space<vmem>>[vector<16xi32>], vector<16xf32>,
        %max3A_356 = arith.maximumf %max3A_351, %gather3A_355 : vector<16xf32>
        %mul3A_357 = arith.constant 16 : i32
        %mul3A_358 = arith.muli %add3A_274, %mul3A_357 : i32
        %add3A_359 = vector.broadcast %mul3A_358 : i32 to vector<16xi32>
        %add3A_360 = arith.addi %add3A_359, %iota3A : vector<16xi32>
        tpu.vector_store_idx %arg9[%add3A_360], %max3A_356 : memref<256xf32, #tpu.memory_space<vmem>>[vector<16xi32>], vector<16xf32>,
        %broadcast_in_dim3A_361 = vector.broadcast %add3A_274 : i32 to vector<16xi32>
        %reduce_max3A = arith.constant true
        %reduce_max3A_362 = vector.broadcast %reduce_max3A : i1 to vector<16xi1>
        %reduce_max3A_363 = tpu.scan <max>, %max3A_356 masked %reduce_max3A_362 : vector<16xf32>, vector<16xi1> -> vector<16xf32>
        %reduce_max3A_364 = vector.extract %reduce_max3A_363[15] : f32 from vector<16xf32>
        %broadcast_in_dim3A_365 = vector.broadcast %reduce_max3A_364 : f32 to vector<16xf32>
        tpu.vector_store_idx %arg10[%broadcast_in_dim3A_361], %broadcast_in_dim3A_365 masked %eq3A_2 : memref<16xf32, #tpu.memory_space<vmem>>[vector<16xi32>], vector<16xf32>, vector<16xi1>
      }
      %lt3A_235 = vector.broadcast %select_n3A_215 : i32 to vector<16xi32>
      %lt3A_236 = arith.cmpi slt, %iota3A, %lt3A_235 : vector<16xi32>
      %get3A_237 = arith.constant 0 : index
      %get3A_238 = tpu.vector_load %arg10[%get3A_237] {strides = array<i32>} : memref<16xf32, #tpu.memory_space<vmem>>, vector<16xf32>,
      %jit3A_239 = arith.constant -3.000000e+38 : f32
      %broadcast_in_dim3A_240 = vector.broadcast %jit3A_239 : f32 to vector<16xf32>
      %select_n3A_241 = arith.select %lt3A_236, %get3A_238, %broadcast_in_dim3A_240 : vector<16xi1>, vector<16xf32>
      %swap3A_242 = arith.constant 0 : index
      %swap3A_243 = tpu.vector_load %arg10[%swap3A_242] {strides = array<i32>} : memref<16xf32, #tpu.memory_space<vmem>>, vector<16xf32>,
      tpu.vector_store %arg10[%swap3A_242], %select_n3A_241 {strides = array<i32>} : memref<16xf32, #tpu.memory_space<vmem>>, vector<16xf32>,
      %broadcast_in_dim3A_244 = vector.broadcast %add3A_145 : i32 to vector<16xi32>
      %broadcast_in_dim3A_245 = vector.broadcast %select_n3A_161 : i32 to vector<16xi32>
      %scan3A_246 = arith.constant 0 : i32
      %scan3A_247 = arith.constant 50 : i32
      %scan3A_248 = arith.addi %scan3A_246, %scan3A_247 : i32
      %scan3A_249 = arith.constant 1 : i32
      scf.for %scan3A_272 = %scan3A_246 to %scan3A_248 step %scan3A_249  : i32 {
        %mul3A_273 = arith.constant 1 : i32
        %mul3A_274 = arith.muli %scan3A_272, %mul3A_273 : i32
        %add3A_275 = arith.constant 0 : i32
        %add3A_276 = arith.addi %add3A_275, %mul3A_274 : i32
        %get3A_277 = arith.constant 0 : index
        %get3A_278 = tpu.vector_load %arg10[%get3A_277] {strides = array<i32>} : memref<16xf32, #tpu.memory_space<vmem>>, vector<16xf32>,
        %reduce_max3A = arith.constant true
        %reduce_max3A_279 = vector.broadcast %reduce_max3A : i1 to vector<16xi1>
        %reduce_max3A_280 = tpu.scan <max>, %get3A_278 masked %reduce_max3A_279 : vector<16xf32>, vector<16xi1> -> vector<16xf32>
        %reduce_max3A_281 = vector.extract %reduce_max3A_280[15] : f32 from vector<16xf32>
        %broadcast_in_dim3A_282 = vector.broadcast %reduce_max3A_281 : f32 to vector<16xf32>
        %eq3A_283 = arith.cmpf oeq, %get3A_278, %broadcast_in_dim3A_282 : vector<16xf32>
        %all_reduce_ffs3A = tpu.all_reduce %eq3A_283 {dim = 0 : i64, kind = #tpu.reduction_kind<find_first_set>} : vector<16xi1> -> vector<16xi32>
        %mul3A_284 = arith.constant 16 : i32
        %mul3A_285 = vector.broadcast %mul3A_284 : i32 to vector<16xi32>
        %mul3A_286 = arith.muli %all_reduce_ffs3A, %mul3A_285 : vector<16xi32>
        %add3A_287 = arith.addi %mul3A_286, %iota3A : vector<16xi32>
        %gather3A = tpu.vector_load_idx %arg9[%add3A_287] : memref<256xf32, #tpu.memory_space<vmem>>[vector<16xi32>], vector<16xf32>,
        %eq3A_288 = arith.cmpf oeq, %gather3A, %broadcast_in_dim3A_282 : vector<16xf32>
        %all_reduce_ffs3A_289 = tpu.all_reduce %eq3A_288 {dim = 0 : i64, kind = #tpu.reduction_kind<find_first_set>} : vector<16xi1> -> vector<16xi32>
        %mul3A_290 = arith.constant 16 : i32
        %mul3A_291 = vector.broadcast %mul3A_290 : i32 to vector<16xi32>
        %mul3A_292 = arith.muli %all_reduce_ffs3A, %mul3A_291 : vector<16xi32>
        %add3A_293 = arith.addi %mul3A_292, %all_reduce_ffs3A_289 : vector<16xi32>
        %mul3A_294 = arith.constant 16 : i32
        %mul3A_295 = vector.broadcast %mul3A_294 : i32 to vector<16xi32>
        %mul3A_296 = arith.muli %add3A_293, %mul3A_295 : vector<16xi32>
        %add3A_297 = arith.addi %mul3A_296, %iota3A : vector<16xi32>
        %gather3A_298 = tpu.vector_load_idx %arg8[%add3A_297] : memref<4096xf32, #tpu.memory_space<vmem>>[vector<16xi32>], vector<16xf32>,
        %eq3A_299 = arith.cmpf oeq, %gather3A_298, %broadcast_in_dim3A_282 : vector<16xf32>
        %all_reduce_ffs3A_300 = tpu.all_reduce %eq3A_299 {dim = 0 : i64, kind = #tpu.reduction_kind<find_first_set>} : vector<16xi1> -> vector<16xi32>
        %add3A_301 = arith.addi %mul3A_296, %all_reduce_ffs3A_300 : vector<16xi32>
        %broadcast_in_dim3A_302 = vector.broadcast %add3A_276 : i32 to vector<16xi32>
        %le3A = arith.constant -1.000000e+30 : f32
        %le3A_303 = vector.broadcast %le3A : f32 to vector<16xf32>
        %le3A_304 = arith.cmpf ole, %broadcast_in_dim3A_282, %le3A_303 : vector<16xf32>
        tpu.vector_store_idx %arg11[%broadcast_in_dim3A_245, %broadcast_in_dim3A_302], %add3A_301 masked %eq3A_2 : memref<8x64xi32, #tpu.memory_space<vmem>>[vector<16xi32>, vector<16xi32>], vector<16xi32>, vector<16xi1>
        %broadcast_in_dim3A_305 = vector.broadcast %scan3A : f32 to vector<16xf32>
        %select_n3A_306 = arith.select %le3A_304, %broadcast_in_dim3A_305, %broadcast_in_dim3A_282 : vector<16xi1>, vector<16xf32>
        tpu.vector_store_idx %arg12[%broadcast_in_dim3A_245, %broadcast_in_dim3A_302], %select_n3A_306 masked %eq3A_2 : memref<8x64xf32, #tpu.memory_space<vmem>>[vector<16xi32>, vector<16xi32>], vector<16xf32>, vector<16xi1>
        %sub3A_307 = arith.subi %broadcast_in_dim3A_244, %add3A_301 : vector<16xi32>
        tpu.vector_store_idx %arg13[%broadcast_in_dim3A_245, %broadcast_in_dim3A_302], %sub3A_307 masked %eq3A_2 : memref<8x64xi32, #tpu.memory_space<vmem>>[vector<16xi32>, vector<16xi32>], vector<16xi32>, vector<16xi1>
        %jit3A_308 = arith.constant 0 : i32
        %jit3A_309 = arith.constant 1 : i32
        %broadcast_in_dim3A_310 = vector.broadcast %jit3A_308 : i32 to vector<16xi32>
        %broadcast_in_dim3A_311 = vector.broadcast %jit3A_309 : i32 to vector<16xi32>
        %select_n3A_312 = arith.select %le3A_304, %broadcast_in_dim3A_310, %broadcast_in_dim3A_311 : vector<16xi1>, vector<16xi32>
        tpu.vector_store_idx %arg14[%broadcast_in_dim3A_245, %broadcast_in_dim3A_302], %select_n3A_312 masked %eq3A_2 : memref<8x64xi32, #tpu.memory_space<vmem>>[vector<16xi32>, vector<16xi32>], vector<16xi32>, vector<16xi1>
        %eq3A_313 = arith.cmpi eq, %iota3A, %all_reduce_ffs3A_300 : vector<16xi32>
        %jit3A_314 = arith.constant -3.000000e+38 : f32
        %broadcast_in_dim3A_315 = vector.broadcast %jit3A_314 : f32 to vector<16xf32>
        %select_n3A_316 = arith.select %eq3A_313, %broadcast_in_dim3A_315, %gather3A_298 : vector<16xi1>, vector<16xf32>
        %add3A_317 = arith.addi %mul3A_296, %iota3A : vector<16xi32>
        tpu.vector_store_idx %arg8[%add3A_317], %select_n3A_316 : memref<4096xf32, #tpu.memory_space<vmem>>[vector<16xi32>], vector<16xf32>,
        %reduce_max3A_318 = arith.constant true
        %reduce_max3A_319 = vector.broadcast %reduce_max3A_318 : i1 to vector<16xi1>
        %reduce_max3A_320 = tpu.scan <max>, %select_n3A_316 masked %reduce_max3A_319 : vector<16xf32>, vector<16xi1> -> vector<16xf32>
        %reduce_max3A_321 = vector.extract %reduce_max3A_320[15] : f32 from vector<16xf32>
        %broadcast_in_dim3A_322 = vector.broadcast %reduce_max3A_321 : f32 to vector<16xf32>
        %mul3A_323 = arith.constant 16 : i32
        %mul3A_324 = vector.broadcast %mul3A_323 : i32 to vector<16xi32>
        %mul3A_325 = arith.muli %all_reduce_ffs3A, %mul3A_324 : vector<16xi32>
        %add3A_326 = arith.addi %mul3A_325, %all_reduce_ffs3A_289 : vector<16xi32>
        tpu.vector_store_idx %arg9[%add3A_326], %broadcast_in_dim3A_322 masked %eq3A_2 : memref<256xf32, #tpu.memory_space<vmem>>[vector<16xi32>], vector<16xf32>, vector<16xi1>
        %eq3A_327 = arith.cmpi eq, %iota3A, %all_reduce_ffs3A_289 : vector<16xi32>
        %select_n3A_328 = arith.select %eq3A_327, %broadcast_in_dim3A_322, %gather3A : vector<16xi1>, vector<16xf32>
        %reduce_max3A_329 = arith.constant true
        %reduce_max3A_330 = vector.broadcast %reduce_max3A_329 : i1 to vector<16xi1>
        %reduce_max3A_331 = tpu.scan <max>, %select_n3A_328 masked %reduce_max3A_330 : vector<16xf32>, vector<16xi1> -> vector<16xf32>
        %reduce_max3A_332 = vector.extract %reduce_max3A_331[15] : f32 from vector<16xf32>
        %broadcast_in_dim3A_333 = vector.broadcast %reduce_max3A_332 : f32 to vector<16xf32>
        tpu.vector_store_idx %arg10[%all_reduce_ffs3A], %broadcast_in_dim3A_333 masked %eq3A_2 : memref<16xf32, #tpu.memory_space<vmem>>[vector<16xi32>], vector<16xf32>, vector<16xi1>
      }
      %scan3A_250 = arith.constant 50 : i32
      %jit3A_251 = arith.constant 4 : i32
      %eq3A_252 = arith.constant 0 : i32
      %eq3A_253 = arith.cmpi eq, %jit3A_251, %eq3A_252 : i32
      %jit3A_254 = arith.constant 1 : i32
      %select_n3A_255 = arith.select %eq3A_253, %jit3A_254, %jit3A_251 : i32
      %rem3A_256 = arith.remsi %add3A_17, %select_n3A_255 : i32
      %ne3A_257 = arith.constant 0 : i32
      %ne3A_258 = arith.cmpi ne, %rem3A_256, %ne3A_257 : i32
      %lt3A_259 = arith.constant 0 : i32
      %lt3A_260 = arith.cmpi slt, %rem3A_256, %lt3A_259 : i32
      %lt3A_261 = arith.constant 0 : i32
      %lt3A_262 = arith.cmpi slt, %select_n3A_255, %lt3A_261 : i32
      %ne3A_263 = arith.xori %lt3A_260, %lt3A_262 : i1
      %and3A_264 = arith.andi %ne3A_263, %ne3A_258 : i1
      %add3A_265 = arith.addi %rem3A_256, %select_n3A_255 : i32
      %select_n3A_266 = arith.select %and3A_264, %add3A_265, %rem3A_256 : i32
      %eq3A_267 = arith.constant 3 : i32
      %eq3A_268 = arith.cmpi eq, %select_n3A_266, %eq3A_267 : i32
      %convert_element_type3A_269 = arith.extui %eq3A_268 : i1 to i32
      %cond3A_270 = arith.constant 0 : i32
      %cond3A_271 = arith.cmpi ne, %convert_element_type3A_269, %cond3A_270 : i32
      scf.if %cond3A_271 {
        %sub3A_272 = arith.constant 7 : i32
        %sub3A_273 = arith.subi %add3A_21, %sub3A_272 : i32
        %multiple_of3A = tpu.assume_multiple %sub3A_273, 8 : i32
        "tpu.region"() ({
          %run_scoped3A = tpu.sem_alloc : memref<!tpu.dma_semaphore, #tpu.memory_space<semaphore_mem>>
          %dma_start3A_274 = arith.constant 0 : i32
          %dma_start3A_275 = tpu.memref_slice %arg3[%add3A, %multiple_of3A, %dma_start3A_274] : memref<32x128x64xi32, #tpu.memory_space<hbm>> -> memref<1x8x64xi32, #tpu.memory_space<hbm>>
          %dma_start3A_276 = tpu.memref_squeeze %dma_start3A_275 : memref<1x8x64xi32, #tpu.memory_space<hbm>> -> memref<8x64xi32, #tpu.memory_space<hbm>>
          %dma_start3A_277 = arith.constant 0 : i32
          %dma_start3A_278 = tpu.memref_slice %arg3[%add3A, %multiple_of3A, %dma_start3A_277] : memref<32x128x64xi32, #tpu.memory_space<hbm>> -> memref<1x8x64xi32, #tpu.memory_space<hbm>>
          %dma_start3A_279 = tpu.memref_squeeze %dma_start3A_278 : memref<1x8x64xi32, #tpu.memory_space<hbm>> -> memref<8x64xi32, #tpu.memory_space<hbm>>
          tpu.enqueue_dma source(%arg11 : memref<8x64xi32, #tpu.memory_space<vmem>>) target(%dma_start3A_279 : memref<8x64xi32, #tpu.memory_space<hbm>>) target_semaphore(%run_scoped3A : memref<!tpu.dma_semaphore, #tpu.memory_space<semaphore_mem>>)
          %dma_wait3A_280 = arith.constant 0 : i32
          %dma_wait3A_281 = tpu.memref_slice %arg3[%add3A, %multiple_of3A, %dma_wait3A_280] : memref<32x128x64xi32, #tpu.memory_space<hbm>> -> memref<1x8x64xi32, #tpu.memory_space<hbm>>
          %dma_wait3A_282 = tpu.memref_squeeze %dma_wait3A_281 : memref<1x8x64xi32, #tpu.memory_space<hbm>> -> memref<8x64xi32, #tpu.memory_space<hbm>>
          %dma_wait3A_283 = arith.constant 0 : i32
          %dma_wait3A_284 = tpu.memref_slice %arg3[%add3A, %multiple_of3A, %dma_wait3A_283] : memref<32x128x64xi32, #tpu.memory_space<hbm>> -> memref<1x8x64xi32, #tpu.memory_space<hbm>>
          %dma_wait3A_285 = tpu.memref_squeeze %dma_wait3A_284 : memref<1x8x64xi32, #tpu.memory_space<hbm>> -> memref<8x64xi32, #tpu.memory_space<hbm>>
          tpu.wait_dma2 semaphore(%run_scoped3A : memref<!tpu.dma_semaphore, #tpu.memory_space<semaphore_mem>>) src(%arg11 : memref<8x64xi32, #tpu.memory_space<vmem>>) dst(%dma_wait3A_285 : memref<8x64xi32, #tpu.memory_space<hbm>>)
          tpu.yield
        }) : () -> ()
        "tpu.region"() ({
          %run_scoped3A = tpu.sem_alloc : memref<!tpu.dma_semaphore, #tpu.memory_space<semaphore_mem>>
          %dma_start3A_274 = arith.constant 0 : i32
          %dma_start3A_275 = tpu.memref_slice %arg4[%add3A, %multiple_of3A, %dma_start3A_274] : memref<32x128x64xf32, #tpu.memory_space<hbm>> -> memref<1x8x64xf32, #tpu.memory_space<hbm>>
          %dma_start3A_276 = tpu.memref_squeeze %dma_start3A_275 : memref<1x8x64xf32, #tpu.memory_space<hbm>> -> memref<8x64xf32, #tpu.memory_space<hbm>>
          %dma_start3A_277 = arith.constant 0 : i32
          %dma_start3A_278 = tpu.memref_slice %arg4[%add3A, %multiple_of3A, %dma_start3A_277] : memref<32x128x64xf32, #tpu.memory_space<hbm>> -> memref<1x8x64xf32, #tpu.memory_space<hbm>>
          %dma_start3A_279 = tpu.memref_squeeze %dma_start3A_278 : memref<1x8x64xf32, #tpu.memory_space<hbm>> -> memref<8x64xf32, #tpu.memory_space<hbm>>
          tpu.enqueue_dma source(%arg12 : memref<8x64xf32, #tpu.memory_space<vmem>>) target(%dma_start3A_279 : memref<8x64xf32, #tpu.memory_space<hbm>>) target_semaphore(%run_scoped3A : memref<!tpu.dma_semaphore, #tpu.memory_space<semaphore_mem>>)
          %dma_wait3A_280 = arith.constant 0 : i32
          %dma_wait3A_281 = tpu.memref_slice %arg4[%add3A, %multiple_of3A, %dma_wait3A_280] : memref<32x128x64xf32, #tpu.memory_space<hbm>> -> memref<1x8x64xf32, #tpu.memory_space<hbm>>
          %dma_wait3A_282 = tpu.memref_squeeze %dma_wait3A_281 : memref<1x8x64xf32, #tpu.memory_space<hbm>> -> memref<8x64xf32, #tpu.memory_space<hbm>>
          %dma_wait3A_283 = arith.constant 0 : i32
          %dma_wait3A_284 = tpu.memref_slice %arg4[%add3A, %multiple_of3A, %dma_wait3A_283] : memref<32x128x64xf32, #tpu.memory_space<hbm>> -> memref<1x8x64xf32, #tpu.memory_space<hbm>>
          %dma_wait3A_285 = tpu.memref_squeeze %dma_wait3A_284 : memref<1x8x64xf32, #tpu.memory_space<hbm>> -> memref<8x64xf32, #tpu.memory_space<hbm>>
          tpu.wait_dma2 semaphore(%run_scoped3A : memref<!tpu.dma_semaphore, #tpu.memory_space<semaphore_mem>>) src(%arg12 : memref<8x64xf32, #tpu.memory_space<vmem>>) dst(%dma_wait3A_285 : memref<8x64xf32, #tpu.memory_space<hbm>>)
          tpu.yield
        }) : () -> ()
        "tpu.region"() ({
          %run_scoped3A = tpu.sem_alloc : memref<!tpu.dma_semaphore, #tpu.memory_space<semaphore_mem>>
          %dma_start3A_274 = arith.constant 0 : i32
          %dma_start3A_275 = tpu.memref_slice %arg5[%add3A, %multiple_of3A, %dma_start3A_274] : memref<32x128x64xi32, #tpu.memory_space<hbm>> -> memref<1x8x64xi32, #tpu.memory_space<hbm>>
          %dma_start3A_276 = tpu.memref_squeeze %dma_start3A_275 : memref<1x8x64xi32, #tpu.memory_space<hbm>> -> memref<8x64xi32, #tpu.memory_space<hbm>>
          %dma_start3A_277 = arith.constant 0 : i32
          %dma_start3A_278 = tpu.memref_slice %arg5[%add3A, %multiple_of3A, %dma_start3A_277] : memref<32x128x64xi32, #tpu.memory_space<hbm>> -> memref<1x8x64xi32, #tpu.memory_space<hbm>>
          %dma_start3A_279 = tpu.memref_squeeze %dma_start3A_278 : memref<1x8x64xi32, #tpu.memory_space<hbm>> -> memref<8x64xi32, #tpu.memory_space<hbm>>
          tpu.enqueue_dma source(%arg13 : memref<8x64xi32, #tpu.memory_space<vmem>>) target(%dma_start3A_279 : memref<8x64xi32, #tpu.memory_space<hbm>>) target_semaphore(%run_scoped3A : memref<!tpu.dma_semaphore, #tpu.memory_space<semaphore_mem>>)
          %dma_wait3A_280 = arith.constant 0 : i32
          %dma_wait3A_281 = tpu.memref_slice %arg5[%add3A, %multiple_of3A, %dma_wait3A_280] : memref<32x128x64xi32, #tpu.memory_space<hbm>> -> memref<1x8x64xi32, #tpu.memory_space<hbm>>
          %dma_wait3A_282 = tpu.memref_squeeze %dma_wait3A_281 : memref<1x8x64xi32, #tpu.memory_space<hbm>> -> memref<8x64xi32, #tpu.memory_space<hbm>>
          %dma_wait3A_283 = arith.constant 0 : i32
          %dma_wait3A_284 = tpu.memref_slice %arg5[%add3A, %multiple_of3A, %dma_wait3A_283] : memref<32x128x64xi32, #tpu.memory_space<hbm>> -> memref<1x8x64xi32, #tpu.memory_space<hbm>>
          %dma_wait3A_285 = tpu.memref_squeeze %dma_wait3A_284 : memref<1x8x64xi32, #tpu.memory_space<hbm>> -> memref<8x64xi32, #tpu.memory_space<hbm>>
          tpu.wait_dma2 semaphore(%run_scoped3A : memref<!tpu.dma_semaphore, #tpu.memory_space<semaphore_mem>>) src(%arg13 : memref<8x64xi32, #tpu.memory_space<vmem>>) dst(%dma_wait3A_285 : memref<8x64xi32, #tpu.memory_space<hbm>>)
          tpu.yield
        }) : () -> ()
        "tpu.region"() ({
          %run_scoped3A = tpu.sem_alloc : memref<!tpu.dma_semaphore, #tpu.memory_space<semaphore_mem>>
          %dma_start3A_274 = arith.constant 0 : i32
          %dma_start3A_275 = tpu.memref_slice %arg6[%add3A, %multiple_of3A, %dma_start3A_274] : memref<32x128x64xi32, #tpu.memory_space<hbm>> -> memref<1x8x64xi32, #tpu.memory_space<hbm>>
          %dma_start3A_276 = tpu.memref_squeeze %dma_start3A_275 : memref<1x8x64xi32, #tpu.memory_space<hbm>> -> memref<8x64xi32, #tpu.memory_space<hbm>>
          %dma_start3A_277 = arith.constant 0 : i32
          %dma_start3A_278 = tpu.memref_slice %arg6[%add3A, %multiple_of3A, %dma_start3A_277] : memref<32x128x64xi32, #tpu.memory_space<hbm>> -> memref<1x8x64xi32, #tpu.memory_space<hbm>>
          %dma_start3A_279 = tpu.memref_squeeze %dma_start3A_278 : memref<1x8x64xi32, #tpu.memory_space<hbm>> -> memref<8x64xi32, #tpu.memory_space<hbm>>
          tpu.enqueue_dma source(%arg14 : memref<8x64xi32, #tpu.memory_space<vmem>>) target(%dma_start3A_279 : memref<8x64xi32, #tpu.memory_space<hbm>>) target_semaphore(%run_scoped3A : memref<!tpu.dma_semaphore, #tpu.memory_space<semaphore_mem>>)
          %dma_wait3A_280 = arith.constant 0 : i32
          %dma_wait3A_281 = tpu.memref_slice %arg6[%add3A, %multiple_of3A, %dma_wait3A_280] : memref<32x128x64xi32, #tpu.memory_space<hbm>> -> memref<1x8x64xi32, #tpu.memory_space<hbm>>
          %dma_wait3A_282 = tpu.memref_squeeze %dma_wait3A_281 : memref<1x8x64xi32, #tpu.memory_space<hbm>> -> memref<8x64xi32, #tpu.memory_space<hbm>>
          %dma_wait3A_283 = arith.constant 0 : i32
          %dma_wait3A_284 = tpu.memref_slice %arg6[%add3A, %multiple_of3A, %dma_wait3A_283] : memref<32x128x64xi32, #tpu.memory_space<hbm>> -> memref<1x8x64xi32, #tpu.memory_space<hbm>>
          %dma_wait3A_285 = tpu.memref_squeeze %dma_wait3A_284 : memref<1x8x64xi32, #tpu.memory_space<hbm>> -> memref<8x64xi32, #tpu.memory_space<hbm>>
          tpu.wait_dma2 semaphore(%run_scoped3A : memref<!tpu.dma_semaphore, #tpu.memory_space<semaphore_mem>>) src(%arg14 : memref<8x64xi32, #tpu.memory_space<vmem>>) dst(%dma_wait3A_285 : memref<8x64xi32, #tpu.memory_space<hbm>>)
          tpu.yield
        }) : () -> ()
      } else {
      }
    }
    %scan3A_12 = arith.constant 64 : i32
    return
  }
}

module attributes {stable_mosaic.version = 14 : i64} {
  func.func @_t1_body(%arg0: i32, %arg1: i32, %arg2: memref<256x3200xf32, #tpu.memory_space<vmem>>, %arg3: memref<2048x3200xf32, #tpu.memory_space<vmem>>, %arg4: memref<1x2048xf32, #tpu.memory_space<vmem>>, %arg5: memref<256x2048xf32, #tpu.memory_space<vmem>>) attributes {dimension_semantics = [#tpu.dimension_semantics<arbitrary>, #tpu.dimension_semantics<arbitrary>], iteration_bounds = array<i64: 2, 16>, scalar_prefetch = 0 : i64, scratch_operands = 0 : i64, tpu.core_type = #tpu.core_type<tc>, window_params = [{transform_indices = @transform_0, window_bounds = array<i64: 256, 3200>}, {transform_indices = @transform_1, window_bounds = array<i64: 2048, 3200>}, {transform_indices = @transform_2, window_bounds = array<i64: 1, 2048>}, {transform_indices = @transform_3, window_bounds = array<i64: 256, 2048>}]} {
    %get3A = arith.constant 0 : index
    %get3A_0 = arith.constant 0 : index
    %get3A_1 = vector.load %arg2[%get3A, %get3A_0] : memref<256x3200xf32, #tpu.memory_space<vmem>>, vector<256x3200xf32>
    %convert_element_type3A = arith.truncf %get3A_1 : vector<256x3200xf32> to vector<256x3200xbf16>
    %get3A_2 = arith.constant 0 : index
    %get3A_3 = arith.constant 0 : index
    %get3A_4 = vector.load %arg3[%get3A_2, %get3A_3] : memref<2048x3200xf32, #tpu.memory_space<vmem>>, vector<2048x3200xf32>
    %convert_element_type3A_5 = arith.truncf %get3A_4 : vector<2048x3200xf32> to vector<2048x3200xbf16>
    %dot_general3A = arith.constant dense<0.000000e+00> : vector<256x2048xf32>
    %dot_general3A_6 = tpu.matmul %convert_element_type3A, %convert_element_type3A_5, %dot_general3A {dimension_numbers = #tpu.dot_dimension_numbers<[1], [1], [0], [0], [0, 0, 1, 0], [], []>, transpose_lhs_hint = false} : vector<256x3200xbf16>, vector<2048x3200xbf16>, vector<256x2048xf32> -> vector<256x2048xf32>
    %get3A_7 = arith.constant 0 : index
    %get3A_8 = arith.constant 0 : index
    %get3A_9 = vector.load %arg4[%get3A_7, %get3A_8] : memref<1x2048xf32, #tpu.memory_space<vmem>>, vector<1x2048xf32>
    %add3A = vector.broadcast %get3A_9 : vector<1x2048xf32> to vector<256x2048xf32>
    %add3A_10 = arith.addf %dot_general3A_6, %add3A : vector<256x2048xf32>
    %swap3A = arith.constant 0 : index
    %swap3A_11 = arith.constant 0 : index
    %swap3A_12 = vector.load %arg5[%swap3A, %swap3A_11] : memref<256x2048xf32, #tpu.memory_space<vmem>>, vector<256x2048xf32>
    tpu.vector_store %arg5[%swap3A, %swap3A_11], %add3A_10 {strides = array<i32>} : memref<256x2048xf32, #tpu.memory_space<vmem>>, vector<256x2048xf32>,
    return
  }
  func.func @transform_0(%arg0: i32, %arg1: i32) -> (i32, i32) {
    %c0_i32 = arith.constant 0 : i32
    %c0_i32_0 = arith.constant 0 : i32
    return %arg1, %c0_i32 : i32, i32
  }
  func.func @transform_1(%arg0: i32, %arg1: i32) -> (i32, i32) {
    %c0_i32 = arith.constant 0 : i32
    %c0_i32_0 = arith.constant 0 : i32
    return %arg0, %c0_i32 : i32, i32
  }
  func.func @transform_2(%arg0: i32, %arg1: i32) -> (i32, i32) {
    %c0_i32 = arith.constant 0 : i32
    %c0_i32_0 = arith.constant 0 : i32
    return %c0_i32, %arg0 : i32, i32
  }
  func.func @transform_3(%arg0: i32, %arg1: i32) -> (i32, i32) {
    %c0_i32 = arith.constant 0 : i32
    return %arg1, %arg0 : i32, i32
  }
}

module attributes {stable_mosaic.version = 14 : i64} {
  func.func @_t2_body(%arg0: i32, %arg1: i32, %arg2: memref<256x3200xf32, #tpu.memory_space<vmem>>, %arg3: memref<1024x3200xf32, #tpu.memory_space<vmem>>, %arg4: memref<256x1xf32, #tpu.memory_space<vmem>>, %arg5: memref<1x1024xf32, #tpu.memory_space<vmem>>, %arg6: memref<1x128xf32, #tpu.memory_space<vmem>>, %arg7: memref<256x1024xf32, #tpu.memory_space<vmem>>) attributes {dimension_semantics = [#tpu.dimension_semantics<arbitrary>, #tpu.dimension_semantics<arbitrary>], iteration_bounds = array<i64: 4, 16>, scalar_prefetch = 0 : i64, scratch_operands = 0 : i64, tpu.core_type = #tpu.core_type<tc>, window_params = [{transform_indices = @transform_0, window_bounds = array<i64: 256, 3200>}, {transform_indices = @transform_1, window_bounds = array<i64: 1024, 3200>}, {transform_indices = @transform_2, window_bounds = array<i64: 256, 1>}, {transform_indices = @transform_3, window_bounds = array<i64: 1, 1024>}, {pipeline_mode = #tpu.pipeline_mode<synchronous>, transform_indices = @transform_4, window_bounds = array<i64: 1, 128>}, {transform_indices = @transform_5, window_bounds = array<i64: 256, 1024>}]} {
    %mul3A = arith.constant 256 : i32
    %mul3A_0 = arith.muli %arg1, %mul3A : i32
    %mul3A_1 = arith.constant 1024 : i32
    %mul3A_2 = arith.muli %arg0, %mul3A_1 : i32
    %iota3A = tpu.iota {dimensions = array<i32: 0>} : vector<256x1024xi32>
    %add3A = vector.broadcast %mul3A_0 : i32 to vector<256x1024xi32>
    %add3A_3 = arith.addi %add3A, %iota3A : vector<256x1024xi32>
    %iota3A_4 = tpu.iota {dimensions = array<i32: 1>} : vector<256x1024xi32>
    %add3A_5 = vector.broadcast %mul3A_2 : i32 to vector<256x1024xi32>
    %add3A_6 = arith.addi %add3A_5, %iota3A_4 : vector<256x1024xi32>
    %sub3A = arith.subi %add3A_3, %add3A_6 : vector<256x1024xi32>
    %ge3A = arith.constant 1 : i32
    %ge3A_7 = vector.broadcast %ge3A : i32 to vector<256x1024xi32>
    %ge3A_8 = arith.cmpi sge, %sub3A, %ge3A_7 : vector<256x1024xi32>
    %add3A_9 = arith.constant 256 : i32
    %add3A_10 = arith.addi %mul3A_0, %add3A_9 : i32
    %sub3A_11 = arith.constant 1 : i32
    %sub3A_12 = arith.subi %add3A_10, %sub3A_11 : i32
    %add3A_13 = arith.constant 1 : i32
    %add3A_14 = arith.addi %mul3A_2, %add3A_13 : i32
    %ge3A_15 = arith.cmpi sge, %sub3A_12, %add3A_14 : i32
    %convert_element_type3A = arith.extui %ge3A_15 : i1 to i32
    %cond3A = arith.constant 0 : i32
    %cond3A_16 = arith.cmpi ne, %convert_element_type3A, %cond3A : i32
    scf.if %cond3A_16 {
      %get3A = arith.constant 0 : index
      %get3A_26 = arith.constant 0 : index
      %get3A_27 = vector.load %arg2[%get3A, %get3A_26] : memref<256x3200xf32, #tpu.memory_space<vmem>>, vector<256x3200xf32>
      %convert_element_type3A_28 = arith.truncf %get3A_27 : vector<256x3200xf32> to vector<256x3200xbf16>
      %get3A_29 = arith.constant 0 : index
      %get3A_30 = arith.constant 0 : index
      %get3A_31 = vector.load %arg3[%get3A_29, %get3A_30] : memref<1024x3200xf32, #tpu.memory_space<vmem>>, vector<1024x3200xf32>
      %convert_element_type3A_32 = arith.truncf %get3A_31 : vector<1024x3200xf32> to vector<1024x3200xbf16>
      %dot_general3A = arith.constant dense<0.000000e+00> : vector<256x1024xf32>
      %dot_general3A_33 = tpu.matmul %convert_element_type3A_28, %convert_element_type3A_32, %dot_general3A {dimension_numbers = #tpu.dot_dimension_numbers<[1], [1], [0], [0], [0, 0, 1, 0], [], []>, transpose_lhs_hint = false} : vector<256x3200xbf16>, vector<1024x3200xbf16>, vector<256x1024xf32> -> vector<256x1024xf32>
      %convert_element_type3A_34 = arith.sitofp %sub3A : vector<256x1024xi32> to vector<256x1024xf32>
      %max3A = arith.constant 1.000000e+00 : f32
      %max3A_35 = vector.broadcast %max3A : f32 to vector<256x1024xf32>
      %max3A_36 = arith.maximumf %convert_element_type3A_34, %max3A_35 : vector<256x1024xf32>
      %log3A = math.log %max3A_36 : vector<256x1024xf32>
      %mul3A_37 = arith.constant 1.44269502 : f32
      %mul3A_38 = vector.broadcast %mul3A_37 : f32 to vector<256x1024xf32>
      %mul3A_39 = arith.mulf %log3A, %mul3A_38 : vector<256x1024xf32>
      %floor3A = math.floor %mul3A_39 : vector<256x1024xf32>
      %convert_element_type3A_40 = arith.fptosi %floor3A : vector<256x1024xf32> to vector<256x1024xi32>
      %add3A_41 = arith.constant 3 : i32
      %add3A_42 = vector.broadcast %add3A_41 : i32 to vector<256x1024xi32>
      %add3A_43 = arith.addi %convert_element_type3A_40, %add3A_42 : vector<256x1024xi32>
      %le3A = arith.constant 4 : i32
      %le3A_44 = vector.broadcast %le3A : i32 to vector<256x1024xi32>
      %le3A_45 = arith.cmpi sle, %sub3A, %le3A_44 : vector<256x1024xi32>
      %select_n3A = arith.select %le3A_45, %sub3A, %add3A_43 : vector<256x1024xi1>, vector<256x1024xi32>
      %jit3A = arith.constant 0 : i32
      %jit3A_46 = arith.constant 9 : i32
      %max3A_47 = vector.broadcast %jit3A : i32 to vector<256x1024xi32>
      %max3A_48 = arith.maxsi %max3A_47, %select_n3A : vector<256x1024xi32>
      %min3A = vector.broadcast %jit3A_46 : i32 to vector<256x1024xi32>
      %min3A_49 = arith.minsi %min3A, %max3A_48 : vector<256x1024xi32>
      %broadcast_in_dim3A = arith.constant 0.000000e+00 : f32
      %broadcast_in_dim3A_50 = vector.broadcast %broadcast_in_dim3A : f32 to vector<256x1024xf32>
      %eq3A = arith.constant 0 : i32
      %eq3A_51 = vector.broadcast %eq3A : i32 to vector<256x1024xi32>
      %eq3A_52 = arith.cmpi eq, %min3A_49, %eq3A_51 : vector<256x1024xi32>
      %get3A_53 = arith.constant 0 : index
      %get3A_54 = arith.constant 0 : index
      %get3A_55 = vector.load %arg6[%get3A_53, %get3A_54] : memref<1x128xf32, #tpu.memory_space<vmem>>, vector<1x1xf32>
      %get3A_56 = vector.extract %get3A_55[0, 0] : f32 from vector<1x1xf32>
      %broadcast_in_dim3A_57 = vector.broadcast %get3A_56 : f32 to vector<256x1024xf32>
      %select_n3A_58 = arith.select %eq3A_52, %broadcast_in_dim3A_57, %broadcast_in_dim3A_50 : vector<256x1024xi1>, vector<256x1024xf32>
      %eq3A_59 = arith.constant 1 : i32
      %eq3A_60 = vector.broadcast %eq3A_59 : i32 to vector<256x1024xi32>
      %eq3A_61 = arith.cmpi eq, %min3A_49, %eq3A_60 : vector<256x1024xi32>
      %get3A_62 = arith.constant 0 : index
      %get3A_63 = arith.constant 1 : index
      %get3A_64 = vector.load %arg6[%get3A_62, %get3A_63] : memref<1x128xf32, #tpu.memory_space<vmem>>, vector<1x1xf32>
      %get3A_65 = vector.extract %get3A_64[0, 0] : f32 from vector<1x1xf32>
      %broadcast_in_dim3A_66 = vector.broadcast %get3A_65 : f32 to vector<256x1024xf32>
      %select_n3A_67 = arith.select %eq3A_61, %broadcast_in_dim3A_66, %select_n3A_58 : vector<256x1024xi1>, vector<256x1024xf32>
      %eq3A_68 = arith.constant 2 : i32
      %eq3A_69 = vector.broadcast %eq3A_68 : i32 to vector<256x1024xi32>
      %eq3A_70 = arith.cmpi eq, %min3A_49, %eq3A_69 : vector<256x1024xi32>
      %get3A_71 = arith.constant 0 : index
      %get3A_72 = arith.constant 2 : index
      %get3A_73 = vector.load %arg6[%get3A_71, %get3A_72] : memref<1x128xf32, #tpu.memory_space<vmem>>, vector<1x1xf32>
      %get3A_74 = vector.extract %get3A_73[0, 0] : f32 from vector<1x1xf32>
      %broadcast_in_dim3A_75 = vector.broadcast %get3A_74 : f32 to vector<256x1024xf32>
      %select_n3A_76 = arith.select %eq3A_70, %broadcast_in_dim3A_75, %select_n3A_67 : vector<256x1024xi1>, vector<256x1024xf32>
      %eq3A_77 = arith.constant 3 : i32
      %eq3A_78 = vector.broadcast %eq3A_77 : i32 to vector<256x1024xi32>
      %eq3A_79 = arith.cmpi eq, %min3A_49, %eq3A_78 : vector<256x1024xi32>
      %get3A_80 = arith.constant 0 : index
      %get3A_81 = arith.constant 3 : index
      %get3A_82 = vector.load %arg6[%get3A_80, %get3A_81] : memref<1x128xf32, #tpu.memory_space<vmem>>, vector<1x1xf32>
      %get3A_83 = vector.extract %get3A_82[0, 0] : f32 from vector<1x1xf32>
      %broadcast_in_dim3A_84 = vector.broadcast %get3A_83 : f32 to vector<256x1024xf32>
      %select_n3A_85 = arith.select %eq3A_79, %broadcast_in_dim3A_84, %select_n3A_76 : vector<256x1024xi1>, vector<256x1024xf32>
      %eq3A_86 = arith.constant 4 : i32
      %eq3A_87 = vector.broadcast %eq3A_86 : i32 to vector<256x1024xi32>
      %eq3A_88 = arith.cmpi eq, %min3A_49, %eq3A_87 : vector<256x1024xi32>
      %get3A_89 = arith.constant 0 : index
      %get3A_90 = arith.constant 4 : index
      %get3A_91 = vector.load %arg6[%get3A_89, %get3A_90] : memref<1x128xf32, #tpu.memory_space<vmem>>, vector<1x1xf32>
      %get3A_92 = vector.extract %get3A_91[0, 0] : f32 from vector<1x1xf32>
      %broadcast_in_dim3A_93 = vector.broadcast %get3A_92 : f32 to vector<256x1024xf32>
      %select_n3A_94 = arith.select %eq3A_88, %broadcast_in_dim3A_93, %select_n3A_85 : vector<256x1024xi1>, vector<256x1024xf32>
      %eq3A_95 = arith.constant 5 : i32
      %eq3A_96 = vector.broadcast %eq3A_95 : i32 to vector<256x1024xi32>
      %eq3A_97 = arith.cmpi eq, %min3A_49, %eq3A_96 : vector<256x1024xi32>
      %get3A_98 = arith.constant 0 : index
      %get3A_99 = arith.constant 5 : index
      %get3A_100 = vector.load %arg6[%get3A_98, %get3A_99] : memref<1x128xf32, #tpu.memory_space<vmem>>, vector<1x1xf32>
      %get3A_101 = vector.extract %get3A_100[0, 0] : f32 from vector<1x1xf32>
      %broadcast_in_dim3A_102 = vector.broadcast %get3A_101 : f32 to vector<256x1024xf32>
      %select_n3A_103 = arith.select %eq3A_97, %broadcast_in_dim3A_102, %select_n3A_94 : vector<256x1024xi1>, vector<256x1024xf32>
      %eq3A_104 = arith.constant 6 : i32
      %eq3A_105 = vector.broadcast %eq3A_104 : i32 to vector<256x1024xi32>
      %eq3A_106 = arith.cmpi eq, %min3A_49, %eq3A_105 : vector<256x1024xi32>
      %get3A_107 = arith.constant 0 : index
      %get3A_108 = arith.constant 6 : index
      %get3A_109 = vector.load %arg6[%get3A_107, %get3A_108] : memref<1x128xf32, #tpu.memory_space<vmem>>, vector<1x1xf32>
      %get3A_110 = vector.extract %get3A_109[0, 0] : f32 from vector<1x1xf32>
      %broadcast_in_dim3A_111 = vector.broadcast %get3A_110 : f32 to vector<256x1024xf32>
      %select_n3A_112 = arith.select %eq3A_106, %broadcast_in_dim3A_111, %select_n3A_103 : vector<256x1024xi1>, vector<256x1024xf32>
      %eq3A_113 = arith.constant 7 : i32
      %eq3A_114 = vector.broadcast %eq3A_113 : i32 to vector<256x1024xi32>
      %eq3A_115 = arith.cmpi eq, %min3A_49, %eq3A_114 : vector<256x1024xi32>
      %get3A_116 = arith.constant 0 : index
      %get3A_117 = arith.constant 7 : index
      %get3A_118 = vector.load %arg6[%get3A_116, %get3A_117] : memref<1x128xf32, #tpu.memory_space<vmem>>, vector<1x1xf32>
      %get3A_119 = vector.extract %get3A_118[0, 0] : f32 from vector<1x1xf32>
      %broadcast_in_dim3A_120 = vector.broadcast %get3A_119 : f32 to vector<256x1024xf32>
      %select_n3A_121 = arith.select %eq3A_115, %broadcast_in_dim3A_120, %select_n3A_112 : vector<256x1024xi1>, vector<256x1024xf32>
      %eq3A_122 = arith.constant 8 : i32
      %eq3A_123 = vector.broadcast %eq3A_122 : i32 to vector<256x1024xi32>
      %eq3A_124 = arith.cmpi eq, %min3A_49, %eq3A_123 : vector<256x1024xi32>
      %get3A_125 = arith.constant 0 : index
      %get3A_126 = arith.constant 8 : index
      %get3A_127 = vector.load %arg6[%get3A_125, %get3A_126] : memref<1x128xf32, #tpu.memory_space<vmem>>, vector<1x1xf32>
      %get3A_128 = vector.extract %get3A_127[0, 0] : f32 from vector<1x1xf32>
      %broadcast_in_dim3A_129 = vector.broadcast %get3A_128 : f32 to vector<256x1024xf32>
      %select_n3A_130 = arith.select %eq3A_124, %broadcast_in_dim3A_129, %select_n3A_121 : vector<256x1024xi1>, vector<256x1024xf32>
      %eq3A_131 = arith.constant 9 : i32
      %eq3A_132 = vector.broadcast %eq3A_131 : i32 to vector<256x1024xi32>
      %eq3A_133 = arith.cmpi eq, %min3A_49, %eq3A_132 : vector<256x1024xi32>
      %get3A_134 = arith.constant 0 : index
      %get3A_135 = arith.constant 9 : index
      %get3A_136 = vector.load %arg6[%get3A_134, %get3A_135] : memref<1x128xf32, #tpu.memory_space<vmem>>, vector<1x1xf32>
      %get3A_137 = vector.extract %get3A_136[0, 0] : f32 from vector<1x1xf32>
      %broadcast_in_dim3A_138 = vector.broadcast %get3A_137 : f32 to vector<256x1024xf32>
      %select_n3A_139 = arith.select %eq3A_133, %broadcast_in_dim3A_138, %select_n3A_130 : vector<256x1024xi1>, vector<256x1024xf32>
      %get3A_140 = arith.constant 0 : index
      %get3A_141 = arith.constant 0 : index
      %get3A_142 = vector.load %arg4[%get3A_140, %get3A_141] : memref<256x1xf32, #tpu.memory_space<vmem>>, vector<256x1xf32>
      %get3A_143 = arith.constant 0 : index
      %get3A_144 = arith.constant 0 : index
      %get3A_145 = vector.load %arg5[%get3A_143, %get3A_144] : memref<1x1024xf32, #tpu.memory_space<vmem>>, vector<1x1024xf32>
      %add3A_146 = vector.broadcast %get3A_142 : vector<256x1xf32> to vector<256x1024xf32>
      %add3A_147 = vector.broadcast %get3A_145 : vector<1x1024xf32> to vector<256x1024xf32>
      %add3A_148 = arith.addf %add3A_146, %add3A_147 : vector<256x1024xf32>
      %add3A_149 = arith.addf %add3A_148, %dot_general3A_33 : vector<256x1024xf32>
      %add3A_150 = arith.addf %add3A_149, %select_n3A_139 : vector<256x1024xf32>
      %jit3A_151 = arith.constant -1.000000e+30 : f32
      %broadcast_in_dim3A_152 = vector.broadcast %jit3A_151 : f32 to vector<256x1024xf32>
      %select_n3A_153 = arith.select %ge3A_8, %add3A_150, %broadcast_in_dim3A_152 : vector<256x1024xi1>, vector<256x1024xf32>
      %swap3A = arith.constant 0 : index
      %swap3A_154 = arith.constant 0 : index
      %swap3A_155 = vector.load %arg7[%swap3A, %swap3A_154] : memref<256x1024xf32, #tpu.memory_space<vmem>>, vector<256x1024xf32>
      tpu.vector_store %arg7[%swap3A, %swap3A_154], %select_n3A_153 {strides = array<i32>} : memref<256x1024xf32, #tpu.memory_space<vmem>>, vector<256x1024xf32>,
    } else {
    }
    %add3A_17 = arith.constant 256 : i32
    %add3A_18 = arith.addi %mul3A_0, %add3A_17 : i32
    %sub3A_19 = arith.constant 1 : i32
    %sub3A_20 = arith.subi %add3A_18, %sub3A_19 : i32
    %add3A_21 = arith.constant 1 : i32
    %add3A_22 = arith.addi %mul3A_2, %add3A_21 : i32
    %lt3A = arith.cmpi slt, %sub3A_20, %add3A_22 : i32
    %convert_element_type3A_23 = arith.extui %lt3A : i1 to i32
    %cond3A_24 = arith.constant 0 : i32
    %cond3A_25 = arith.cmpi ne, %convert_element_type3A_23, %cond3A_24 : i32
    scf.if %cond3A_25 {
      %broadcast_in_dim3A = arith.constant -1.000000e+30 : f32
      %broadcast_in_dim3A_26 = vector.broadcast %broadcast_in_dim3A : f32 to vector<256x1024xf32>
      %swap3A = arith.constant 0 : index
      %swap3A_27 = arith.constant 0 : index
      %swap3A_28 = vector.load %arg7[%swap3A, %swap3A_27] : memref<256x1024xf32, #tpu.memory_space<vmem>>, vector<256x1024xf32>
      tpu.vector_store %arg7[%swap3A, %swap3A_27], %broadcast_in_dim3A_26 {strides = array<i32>} : memref<256x1024xf32, #tpu.memory_space<vmem>>, vector<256x1024xf32>,
    } else {
    }
    return
  }
  func.func @transform_0(%arg0: i32, %arg1: i32) -> (i32, i32) {
    %c0_i32 = arith.constant 0 : i32
    %c0_i32_0 = arith.constant 0 : i32
    return %arg1, %c0_i32 : i32, i32
  }
  func.func @transform_1(%arg0: i32, %arg1: i32) -> (i32, i32) {
    %c0_i32 = arith.constant 0 : i32
    %c0_i32_0 = arith.constant 0 : i32
    return %arg0, %c0_i32 : i32, i32
  }
  func.func @transform_2(%arg0: i32, %arg1: i32) -> (i32, i32) {
    %c0_i32 = arith.constant 0 : i32
    %c0_i32_0 = arith.constant 0 : i32
    return %arg1, %c0_i32 : i32, i32
  }
  func.func @transform_3(%arg0: i32, %arg1: i32) -> (i32, i32) {
    %c0_i32 = arith.constant 0 : i32
    %c0_i32_0 = arith.constant 0 : i32
    return %c0_i32, %arg0 : i32, i32
  }
  func.func @transform_4(%arg0: i32, %arg1: i32) -> (i32, i32) {
    %c0_i32 = arith.constant 0 : i32
    %c0_i32_0 = arith.constant 0 : i32
    %c0_i32_1 = arith.constant 0 : i32
    return %c0_i32, %c0_i32_0 : i32, i32
  }
  func.func @transform_5(%arg0: i32, %arg1: i32) -> (i32, i32) {
    %c0_i32 = arith.constant 0 : i32
    return %arg1, %arg0 : i32, i32
  }
}

</mosaic_0001>

<sc_bundles>
// kernel: kernel.5.cloned.1.call-start
scs
__scs_entry_jumppad:
0x0: {  	(pc) =	sbr.rel $0x88, $3  }
0x1: {  	(tag) =	ssettag $0x0;
	lr =	simm.s32 $0x1  }
0x2: {  	[smem:$0x3F9A] =	sst lr;
	_ =	strace $0xD0000000  }
0x3: {  	_ = 	snop  }
0x4: {  	_ = 	snop  }
0x5: {  	_ = 	snop  }
0x6: {  	_ = 	snop  }
0x7: {  	_ = 	snop  }
__scs_overlays_trampoline_lowered:
0x8: {  	[smem:$0x3FA9] =	sst s0  }
0x9: {  	[smem:$0x3FAA] =	sst s1  }
0xa: {  	[smem:$0x3FAB] =	sst s2  }
0xb: {  	[smem:$0x3FAC] =	sst s3  }
0xc: {  	[smem:$0x3FAD] =	sst s4  }
0xd: {  	[smem:$0x3FAE] =	sst s5  }
0xe: {  	[smem:$0x3FAF] =	sst s6  }
0xf: {  	[smem:$0x3FB0] =	sst s7  }
0x10: {  	[smem:$0x3FB1] =	sst s8  }
0x11: {  	[smem:$0x3FB2] =	sst s9;
	s0 =	simm.s32 @!p0 $0x0  }
0x12: {  	s1 =	sld [smem:$0x3F98];
	s0 =	simm.s32 @p0 $0x1  }
0x13: {  	[smem:$0x3FB3] =	sst s0;
	s0 =	simm.s32 @!p1 $0x0  }
0x14: {  	s2 =	sld [smem:$0x3F97];
	s0 =	simm.s32 @p1 $0x1  }
0x15: {  	[smem:$0x3FB4] =	sst s0;
	s0 =	simm.s32 @!p2 $0x0  }
0x16: {  	s3 =	sld [smem:$0x3FDB];
	s0 =	simm.s32 @p2 $0x1  }
0x17: {  	s4 =	simm.s32 $0x1BF5;
	[smem:$0x3FB6] =	sst s0  }
0x18: {  	s0 =	sld [smem:$0x3F99];
	_ =	swait.ge [sflag:s4], $0x0  }
0x19: {  	s7 =	sld [smem:$0x3F9A]  }
0x1a: {  	s8 =	sadd.s32 $0xFFFFE003, lr  }
0x1b: {  	s9 =	sadd.s32 $0xFFFFFEF7, lr;
	s5 =	simm.s32 $0xFFFFFFFF;
	p2 =	slt.u32 s8, $0xFFFFF086  }
0x1c: {  	p1 =	slt.u32 s9, $0xF7A;
	s5 =	simm.s32 @!p2 $0x0  }
0x1d: {  	s5 =	simm.s32 @p1 $0x1;
	p0 =	seq.s32 s7, s2  }
0x1e: {  	s7 =	smul.u32 @!p0 $0xF7A, s2;
	p2 =	seq.s32 @!p0 s5, $0x0  }
0x1f: {  	s9 =	smul.u32 $0xF7A, s1;
	s8 =	simm.s32 @!p0 $0x1BF5;
	p2 =	por !p2, p0  }
0x20: {  	[sflag:s8] =	ssyncset.s32 @!p0 $0xFFFFF086;
	s6 =	sadd.s32 @!p0 s3, s7;
	s7 =	simm.s32 @!p0 $0x108  }
0x21: {  	s3 =	sadd.s32 s3, s9;
	s6 =	sadd.s32 @!p0 $0x88, s6;
	s7 =	simm.s32 @p2 $0x1082  }
0x22: {  	[simem:s7], [sflag:s8] =	dma.local @!p0 [hbm:s6], $0xF7A  }
0x23: {  	s9 =	sor.u32 $0xD0000000, s2;
	s6 =	simm.s32 $0x108;
	_ =	swait.ge @!p0 [sflag:s8], $0x0  }
0x24: {  	s3 =	sadd.s32 $0x88, s3;
	s6 =	simm.s32 @!p1 $0x1082;
	[sflag:s4] =	ssyncset.s32 $0xFFFFF086  }
0x25: {  	[simem:s6], [sflag:s4] =	dma.local [hbm:s3], $0xF7A  }
0x26: {  	[smem:$0x3F9A] =	sst s1;
	(tag) =	ssettag s2;
	_ =	strace s9  }
0x27: {  	s1 =	sld [smem:$0x3FAA]  }
0x28: {  	s2 =	sld [smem:$0x3FAB]  }
0x29: {  	s4 =	sld [smem:$0x3FAD]  }
0x2a: {  	p0 =	seq.s32 s5, $0x0;
	s5 =	sld [smem:$0x3FAE]  }
0x2b: {  	s6 =	sld [smem:$0x3FAF]  }
0x2c: {  	s7 =	sld [smem:$0x3FB0]  }
0x2d: {  	s3 =	simm.s32 $0x108;
	s8 =	sld [smem:$0x3FB1]  }
0x2e: {  	s3 =	simm.s32 @!p0 $0x1082;
	s9 =	sld [smem:$0x3FB2]  }
0x2f: {  	lr =	sadd.s32 s0, s3;
	s0 =	sld [smem:$0x3FA9]  }
0x30: {  	s3 =	sld [smem:$0x3FAC]  }
0x31: {  	[smem:$0x3FB5] =	sst s10  }
0x32: {  	s10 =	sld [smem:$0x3FB3];
	_ =	sdelay $0x3  }
0x33: {  	p0 =	seq.s32 s10, $0x1;
	s10 =	sld [smem:$0x3FB5];
	_ =	sdelay $0x3  }
0x34: {  	[smem:$0x3FB5] =	sst s10  }
0x35: {  	s10 =	sld [smem:$0x3FB4];
	_ =	sdelay $0x3  }
0x36: {  	p1 =	seq.s32 s10, $0x1;
	s10 =	sld [smem:$0x3FB5];
	_ =	sdelay $0x3  }
0x37: {  	[smem:$0x3FB5] =	sst s10  }
0x38: {  	s10 =	sld [smem:$0x3FB6]  }
0x39: {  	_ = 	snop;
	(pc) =	sbr.ind lr, $3  }
0x3a: {  	_ = 	snop  }
0x3b: {  	_ = 	snop  }
0x3c: {  	p2 =	seq.s32 s10, $0x1;
	s10 =	sld [smem:$0x3FB5]  }
0x3d: {  	_ =	shalt  }
0x3e: {  	_ =	shalt  }
0x3f: {  	_ =	shalt  }
0x40: {  	_ =	shalt  }
0x41: {  	_ =	shalt  }
0x42: {  	_ =	shalt  }
0x43: {  	_ =	shalt  }
0x44: {  	_ =	shalt  }
0x45: {  	_ =	shalt  }
0x46: {  	_ =	shalt  }
0x47: {  	_ =	shalt  }
0x48: {  	_ =	shalt  }
0x49: {  	_ =	shalt  }
0x4a: {  	_ =	shalt  }
0x4b: {  	_ =	shalt  }
0x4c: {  	_ =	shalt  }
0x4d: {  	_ =	shalt  }
0x4e: {  	_ =	shalt  }
0x4f: {  	_ =	shalt  }
0x50: {  	_ =	shalt  }
0x51: {  	_ =	shalt  }
0x52: {  	_ =	shalt  }
0x53: {  	_ =	shalt  }
0x54: {  	_ =	shalt  }
0x55: {  	_ =	shalt  }
0x56: {  	_ =	shalt  }
0x57: {  	_ =	shalt  }
0x58: {  	_ =	shalt  }
0x59: {  	_ =	shalt  }
0x5a: {  	_ =	shalt  }
0x5b: {  	_ =	shalt  }
0x5c: {  	_ =	shalt  }
0x5d: {  	_ =	shalt  }
0x5e: {  	_ =	shalt  }
0x5f: {  	_ =	shalt  }
0x60: {  	_ =	shalt  }
0x61: {  	_ =	shalt  }
0x62: {  	_ =	shalt  }
0x63: {  	_ =	shalt  }
0x64: {  	_ =	shalt  }
0x65: {  	_ =	shalt  }
0x66: {  	_ =	shalt  }
0x67: {  	_ =	shalt  }
0x68: {  	_ =	shalt  }
0x69: {  	_ =	shalt  }
0x6a: {  	_ =	shalt  }
0x6b: {  	_ =	shalt  }
0x6c: {  	_ =	shalt  }
0x6d: {  	_ =	shalt  }
0x6e: {  	_ =	shalt  }
0x6f: {  	_ =	shalt  }
0x70: {  	_ =	shalt  }
0x71: {  	_ =	shalt  }
0x72: {  	_ =	shalt  }
0x73: {  	_ =	shalt  }
0x74: {  	_ =	shalt  }
0x75: {  	_ =	shalt  }
0x76: {  	_ =	shalt  }
0x77: {  	_ =	shalt  }
0x78: {  	_ =	shalt  }
0x79: {  	_ =	shalt  }
0x7a: {  	_ =	shalt  }
0x7b: {  	_ =	shalt  }
0x7c: {  	_ =	shalt  }
0x7d: {  	_ =	shalt  }
0x7e: {  	_ =	shalt  }
0x7f: {  	_ =	shalt  }
0x80: {  	_ =	shalt  }
0x81: {  	_ =	shalt  }
0x82: {  	_ =	shalt  }
0x83: {  	_ =	shalt  }
0x84: {  	_ =	shalt  }
0x85: {  	_ =	shalt  }
0x86: {  	_ =	shalt  }
0x87: {  	_ =	shalt  }
.Lfunc_end0:
.L_simem_size_0:
called_computation_lowered:
.L_overlay_start_0:
0x88: {  	s2 =	sld [smem:$0x3FD9]  }
0x89: {  	s3 =	sld [smem:$0x3FFE];
	_ =	sdelay $0x1  }
0x8a: {  	s1 =	srdreg.scid  }
0x8b: {  	s0 =	sand.u32 $0x1, s1  }
0x8c: {  	s16 =	sshll.u32 s0, $0xA;
	s2 =	sadd.s32 s3, s2  }
0x8d: {  	s2 =	sadd.s32 s2, s16  }
0x8e: {  	[smem:$0x3FC1] =	sst s2  }
0x8f: {  	_ = 	snop  }
0x90: {  	(tm) =	ssettm $0x1  }
0x91: {  	s17 =	sld [smem:$0x3FFB];
	_ =	sdelay $0x3  }
0x92: {  	_ =	strace s17  }
0x93: {  	s2 =	sld [smem:$0x3FFC];
	_ =	sdelay $0x3  }
0x94: {  	_ =	strace s2  }
0x95: {  	s2 =	sld [smem:$0x3FFD];
	_ =	sdelay $0x3  }
0x96: {  	_ =	strace s2  }
0x97: {  	_ =	strace $0x8FFFFFFF  }
0x98: {  	s18 =	sld [smem:$0x3FDB];
	_ =	sdelay $0x1  }
0x99: {  	s19 =	simm.s32 $_scs_section_size  }
0x9a: {  	s4 =	simm.s32 $_size__tile_overlayer_lowered;
	s5 =	simm.s32 $_tile_overlayer_lowered  }
0x9b: {  	s22 =	simm.s32 $0x1BFF;
	s21 =	sshll.u32 s5, $0x1;
	s2 =	sadd.s32 s19, s18  }
0x9c: {  	s6 =	simm.s32 $0x0;
	s20 =	sshll.u32 s4, $0x1;
	s4 =	sadd.s32 s21, s2  }
0x9d: {  	[timem:s6], [sflag:s22] =	dma.local [hbm:s4], s20  }
0x9e: {  	_ =	swait.ge [sflag:s22], s20  }
0x9f: {  	s3 =	ssub.s32 $0x0, s20;
	[sflag:s22] =	ssyncset.done $0x0  }
0xa0: {  	[sflag:s22] =	ssyncadd.s32 s3;
	_ =	sdelay $0x1  }
0xa1: {  	s23 =	simm.s32 $0x1B8B  }
0xa2: {  	_ =	swait.ge [sflag:s23], $0x1  }
0xa3: {  	[sflag:s23] =	ssyncset.done $0x0  }
0xa4: {  	s25 =	simm.s32 $0x1B8E;
	s24 =	sld [smem:$0x3FFE];
	[sflag:s23] =	ssyncadd.s32 $0xFFFFFFFF  }
0xa5: {  	s26 =	simm.s32 $execute0_lowered;
	[smem:$0x3FD2] =	sst s25  }
0xa6: {  	s4 =	sshll.u32 s26, $0x1;
	_ =	strace $0x80000046;
	[dreg:$0x1] =	wrdreg $0xFFFFFFFF  }
0xa7: {  	s28 =	simm.s32 $_size_execute0_lowered;
	s2 =	sadd.s32 s2, s4;
	[dreg:$0x0] =	wrdreg $0x0  }
0xa8: {  	s4 =	sshll.u32 s28, $0x1;
	[dreg:$0x2] =	wrdreg s2  }
0xa9: {  	[dreg:$0x3] =	wrdreg s4  }
0xaa: {  	[dreg:$0x4] =	wrdreg $0xC0  }
0xab: {  	_ =	task [dreg:s6], $0x5FFFF  }
0xac: {  	[dreg:$0x1] =	wrdreg $0xFFFFFFFF  }
0xad: {  	[dreg:$0x0] =	wrdreg $0x60  }
0xae: {  	[dreg:$0x2] =	wrdreg s24  }
0xaf: {  	[dreg:$0x3] =	wrdreg $0x9  }
0xb0: {  	_ =	task.clear_ibuf [dreg:s6], $0x4FFFF;
	_ =	strace $0x90000046  }
0xb1: {  	s29 =	simm.s32 $0x9;
	_ =	strace $0x80000048  }
0xb2: {  	_ =	swait.ge [sflag:s29], $0x1  }
0xb3: {  	[sflag:s29] =	ssyncadd.s32 $0xFFFFFFFF  }
0xb4: {  	_ =	strace $0x90000048  }
0xb5: {  	_ =	sfence  }
0xb6: {  	s30 =	sld [smem:$0x0];
	_ =	sdelay $0x2  }
0xb7: {  	s31 =	sshll.u32 s1, $0xD;
	s1 =	sshrl.u32 s1, $0x2  }
0xb8: {  	s3 =	sand.u32 $0x4000, s31;
	s1 =	sadd.s32 s1, s30  }
0xb9: {  	s0 =	sor.u32 s3, s0;
	s1 =	sshll.u32 s1, $0x11  }
0xba: {  	s0 =	sor.u32 s1, s0  }
0xbb: {  	s0 =	sadd.s32 $0x8F2B, s0  }
0xbc: {  	[sflag:s0] =	ssyncadd.remote.s32 $0x1  }
0xbd: {  	_ =	sfence.sel $0xFFFF  }
0xbe: {  	[dreg:$0x0] =	wrdreg $0xFFFFFFFF;
	(pc) =	sbr.abs _section_cstart, $3  }
0xbf: {  	[dreg:$0x1] =	wrdreg $0xFFFFFFFF  }
0xc0: {  	_ =	task.clear_ibuf [dreg:s6], $0x2FFFF;
	_ =	strace $0x9FFFFFFF  }
0xc1: {  	(tm) =	ssettm $0x7FFFFFFF  }
tec
execute0_lowered:
.L_overlay_start_1:
0x0: {  	(tag) =	ssettag $0x1  }
0x1: {  	s0 =	rddreg [dreg:$0x0];
	s1 =	simm.s32 $0x0  }
0x2: {  	s26 =	srdreg.scid;
	s4 =	stileid.u32;
	s16 =	simm.s32 $0x1000  }
0x3: {  	s17 =	simm.s32 $0x1;
	s18 =	simm.s32 $0x2000;
	s19 =	simm.s32 $0x2100  }
0x4: {  	s20 =	simm.s32 $0x2180;
	s21 =	simm.s32 $0x2580;
	s22 =	simm.s32 $0x2980  }
0x5: {  	s23 =	simm.s32 $0x2D80;
	s24 =	simm.s32 $0x2;
	[smem:$0x7FF] =	sst s1  }
0x6: {  	s2 =	sadd.s32 $0x530A00, s0;
	s3 =	sadd.s32 $0xA00, s0;
	s5 =	sadd.s32 $0x20A00, s0  }
0x7: {  	v0 =	vlaneseq.u32;
	s6 =	sshll.u32 s4, $0x1;
	_ =	strace $0x80000047;
	[dreg:$0x2] =	wrdreg s3  }
0x8: {  	s7 =	sshll.u32 s4, $0xA;
	v1 =	vmul.u32 $0x10, v0;
	[dreg:$0x3] =	wrdreg s5;
	s3 =	sand.u32 $0x1, s26  }
0x9: {  	v2 =	vand.u32 $0x7, v0;
	s5 =	sadd.s32 $0x30A00, s0;
	s7 =	sand.u32 $0x3000, s7;
	s6 =	sor.u32 s3, s6  }
0xa: {  	v18 =	vimm.s32 $0x0;
	v2 =	vmul.u32 $0x10, v2;
	s3 =	ssub.s32 $0x2, s3;
	s10 =	sadd.s32 s2, s7;
	s7 =	sadd.s32 $0x10A00, s0;
	v3 =	vor.u32 $0x1, v1  }
0xb: {  	v4 =	vor.u32 $0x2, v1;
	v5 =	vor.u32 $0x3, v1;
	v6 =	vor.u32 $0x4, v1;
	s8 =	sshll.u32 s6, $0x4;
	s9 =	sshrl.u32 s3, $0x1;
	s30 =	sshll.u32 s6, $0xE  }
0xc: {  	v7 =	vor.u32 $0x5, v1;
	v8 =	vor.u32 $0x6, v1;
	v9 =	vor.u32 $0x7, v1;
	s31 =	sor.u32 $0x20, s6;
	s8 =	sand.u32 $0x70, s8;
	s28 =	ssub.s32 s3, s9  }
0xd: {  	v10 =	vor.u32 $0x8, v1;
	v11 =	vor.u32 $0x9, v1;
	v12 =	vor.u32 $0xA, v1;
	s11 =	sadd.s32 $0xFFFFFD00, s30;
	[dreg:$0x5] =	wrdreg s31;
	s29 =	sadd.s32 s8, s10  }
0xe: {  	v13 =	vor.u32 $0xB, v1;
	v14 =	vor.u32 $0xC, v1;
	v15 =	vor.u32 $0xD, v1;
	s9 =	sadd.s32 s2, s8;
	s0 =	smax.u32 s28, $0x1;
	[dreg:$0x4] =	wrdreg s29  }
0xf: {  	v16 =	vor.u32 $0xE, v1;
	v17 =	vor.u32 $0xF, v1;
	v2 =	vor.u32 $0xFFFFFF80, v2;
	s2 =	simm.s32 $0x0;
	s10 =	sadd.s32 $0x8000, s29;
	[dreg:$0x6] =	wrdreg s0  }
.LBB2_1:
0x10: {  	[dreg:$0x7] =	wrdreg s2  }
0x11: {  	s0 =	rddreg [dreg:$0x4];
	s31 =	simm.s32 $0x80;
	s3 =	simm.s32 $0x400  }
0x12: {  	s26 =	rddreg [dreg:$0x5];
	s28 =	smov.u32 s6;
	s29 =	simm.s32 $0x0  }
0x13: {  	[tilespmem:s1], [sflag:$0x1] =	stream.strided.gather [hbm4b:s0+s31], $0x1000, s3, s31, $0x38;
	[tilespmem:$0x3180] =	vst v63  }
.LBB2_2:
0x14: {  	s0 =	sshllo.u32 s29, $0x1  }
0x15: {  	s2 =	sshll.u32 s0, $0x5  }
0x16: {  	s30 =	sor.u32 s6, s2  }
0x17: {  	s2 =	sshll.u32 s30, $0x9  }
0x18: {  	s3 =	sand.u32 $0xFFFF000, s2;
	s2 =	simm.s32 $0x0  }
0x19: {  	s4 =	simm.s32 $0x80;
	s8 =	simm.s32 $0x400;
	s3 =	sadd.s32 s3, s9;
	v19 =	vor.u32 s2, v1;
	v20 =	vor.u32 s2, v3  }
0x1a: {  	[tilespmem:s16], [sflag:$0x2] =	stream.strided.gather [hbm4b:s3+s4], $0x1000, s8, s4, $0x38;
	v19 =	vand.u32 v2, v19;
	[tilespmem:$0x3180] =	vst v63  }
0x1b: {  	v21 =	vor.u32 s2, v4;
	_ =	swait.ge [sflag:s17], $0x1000  }
0x1c: {  	v22 =	vor.u32 s2, v5;
	[sflag:s17] =	ssyncset.done $0x0  }
0x1d: {  	v23 =	vor.u32 s2, v6;
	[sflag:s17] =	ssyncadd.s32 $0xFFFFF000  }
0x1e: {  	v24 =	vor.u32 s2, v7;
	v20 =	vld.idx.msk [tilespmem:v20+s1+$0x0], $0xffff  }
0x1f: {  	v25 =	vor.u32 s2, v8;
	v19 =	vld.idx.msk [tilespmem:v19+s1+$0x0], $0xffff  }
0x20: {  	v26 =	vor.u32 s2, v9;
	v21 =	vld.idx.msk [tilespmem:v21+s1+$0x0], $0xffff  }
0x21: {  	v27 =	vor.u32 s2, v10;
	v22 =	vld.idx.msk [tilespmem:v22+s1+$0x0], $0xffff  }
0x22: {  	v28 =	vor.u32 s2, v11;
	v23 =	vld.idx.msk [tilespmem:v23+s1+$0x0], $0xffff  }
0x23: {  	v29 =	vor.u32 s2, v12;
	v24 =	vld.idx.msk [tilespmem:v24+s1+$0x0], $0xffff  }
0x24: {  	v30 =	vor.u32 s2, v13;
	v25 =	vld.idx.msk [tilespmem:v25+s1+$0x0], $0xffff;
	v19 =	vmax.f32 v19, v20  }
0x25: {  	v52 =	vor.u32 s2, v14;
	v20 =	vld.idx.msk [tilespmem:v26+s1+$0x0], $0xffff;
	v19 =	vmax.f32 v19, v21  }
0x26: {  	v54 =	vor.u32 s2, v15;
	v53 =	vld.idx.msk [tilespmem:v27+s1+$0x0], $0xffff;
	v19 =	vmax.f32 v19, v22  }
0x27: {  	v56 =	vor.u32 s2, v16;
	v55 =	vld.idx.msk [tilespmem:v28+s1+$0x0], $0xffff;
	v19 =	vmax.f32 v19, v23  }
0x28: {  	v58 =	vor.u32 s2, v17;
	v57 =	vld.idx.msk [tilespmem:v29+s1+$0x0], $0xffff;
	v19 =	vmax.f32 v19, v24  }
0x29: {  	v59 =	vld.idx.msk [tilespmem:v30+s1+$0x0], $0xffff;
	v19 =	vmax.f32 v19, v25  }
0x2a: {  	v60 =	vld.idx.msk [tilespmem:v52+s1+$0x0], $0xffff;
	v19 =	vmax.f32 v19, v20  }
0x2b: {  	p0 =	sgt.s32 s26, $0x32;
	s3 =	smov.u32 s26;
	v20 =	vld.idx.msk [tilespmem:v54+s1+$0x0], $0xffff;
	v19 =	vmax.f32 v19, v53  }
0x2c: {  	s8 =	smov.u32 s28;
	s3 =	simm.s32 @!p0 $0x32;
	p0 =	sgt.s32 s28, $0x32;
	v61 =	vld.idx.msk [tilespmem:v56+s1+$0x0], $0xffff;
	v19 =	vmax.f32 v19, v55  }
0x2d: {  	s8 =	simm.s32 @!p0 $0x32;
	v62 =	vld.idx.msk [tilespmem:v58+s1+$0x0], $0xffff;
	v19 =	vmax.f32 v19, v57  }
0x2e: {  	s8 =	sadd.s32 $0xF, s8;
	v19 =	vmax.f32 v19, v59  }
0x2f: {  	s8 =	sand.u32 $0x7FFFFFF0, s8;
	v19 =	vmax.f32 v19, v60  }
0x30: {  	s8 =	sadd.s32 $0xF0, s8;
	v19 =	vmax.f32 v19, v20  }
0x31: {  	s12 =	sshll.u32 s29, $0x6;
	s25 =	sand.u32 $0xFFFFFF00, s8;
	v19 =	vmax.f32 v19, v61  }
0x32: {  	s13 =	sor.u32 s6, s12;
	v63 =	vor.u32 s2, v0;
	p0 =	sne.s32 s25, $0x100;
	v19 =	vmax.f32 v19, v62  }
.Ltmp0:
0x33: {  	s12 =	smax.u32 s13, $0x32;
	s3 =	sadd.s32 $0xF, s3;
	(xrf0) =	vmax.scan.msk.f32 $0xffff, v19;
	(pc) =	sbr.rel @!p0 .LBB2_4-.Ltmp0, $4  }
0x34: {  	s15 =	sshll.u32 s29, $0x1;
	s12 =	sadd.s32 $0xF, s12;
	s3 =	sand.u32 $0x7FFFFFF0, s3  }
0x35: {  	s14 =	sshrl.u32 s12, $0x4;
	s12 =	sand.u32 $0x6, s15;
	s3 =	sadd.s32 $0xF0, s3  }
0x36: {  	s15 =	simm.s32 $0x0;
	s31 =	sand.u32 $0xFFFFFF00, s3;
	s8 =	sadd.s32 $0xF, s14  }
0x37: {  	s3 =	simm.s32 $0x0;
	s14 =	simm.s32 $0x100;
	s8 =	sshrl.u32 s8, $0x4;
	[tilespmem:v63+s18+$0x0] =	vst.idx.msk $0xffff, v19;
	v19 =	vmov s2  }
.LBB2_3:
0x38: {  	v20 =	vor.u32 s14, v1;
	v21 =	vor.u32 s14, v3;
	s4 =	smov.u32 s14;
	s14 =	sadd.s32 $0x100, s14  }
0x39: {  	v20 =	vand.u32 v2, v20;
	p0 =	sne.s32 s25, s14;
	v22, _, _ =	vpop (xrf0)  }
0x3a: {  	v23 =	vor.u32 s4, v4;
	v22 =	vbroadcast v22, $0xF  }
0x3b: {  	v24 =	vor.u32 s4, v5  }
0x3c: {  	v25 =	vor.u32 s4, v6;
	[tilespmem:v19+s19+$0x0] =	vst.idx.msk $0x1, v22  }
0x3d: {  	v19 =	vld.idx.msk [tilespmem:v21+s1+$0x0], $0xffff;
	v21 =	vor.u32 s4, v7  }
0x3e: {  	v22 =	vor.u32 s4, v8;
	v20 =	vld.idx.msk [tilespmem:v20+s1+$0x0], $0xffff  }
0x3f: {  	v26 =	vor.u32 s4, v9;
	v23 =	vld.idx.msk [tilespmem:v23+s1+$0x0], $0xffff  }
0x40: {  	v27 =	vor.u32 s4, v10;
	v24 =	vld.idx.msk [tilespmem:v24+s1+$0x0], $0xffff  }
0x41: {  	v28 =	vor.u32 s4, v11;
	v25 =	vld.idx.msk [tilespmem:v25+s1+$0x0], $0xffff  }
0x42: {  	v29 =	vor.u32 s4, v12;
	v21 =	vld.idx.msk [tilespmem:v21+s1+$0x0], $0xffff  }
0x43: {  	v30 =	vor.u32 s4, v13;
	v22 =	vld.idx.msk [tilespmem:v22+s1+$0x0], $0xffff  }
0x44: {  	v19 =	vmax.f32 v20, v19;
	v20 =	vld.idx.msk [tilespmem:v26+s1+$0x0], $0xffff;
	v26 =	vor.u32 s4, v14  }
0x45: {  	v19 =	vmax.f32 v19, v23;
	v23 =	vld.idx.msk [tilespmem:v27+s1+$0x0], $0xffff;
	v27 =	vor.u32 s4, v15  }
0x46: {  	v19 =	vmax.f32 v19, v24;
	v24 =	vld.idx.msk [tilespmem:v28+s1+$0x0], $0xffff;
	v28 =	vor.u32 s4, v16  }
0x47: {  	v19 =	vmax.f32 v19, v25;
	v25 =	vld.idx.msk [tilespmem:v29+s1+$0x0], $0xffff;
	v29 =	vor.u32 s4, v17  }
0x48: {  	v19 =	vmax.f32 v19, v21;
	v21 =	vld.idx.msk [tilespmem:v30+s1+$0x0], $0xffff  }
0x49: {  	v19 =	vmax.f32 v19, v22;
	v22 =	vld.idx.msk [tilespmem:v26+s1+$0x0], $0xffff  }
0x4a: {  	v19 =	vmax.f32 v19, v20;
	v20 =	vld.idx.msk [tilespmem:v27+s1+$0x0], $0xffff  }
0x4b: {  	v19 =	vmax.f32 v19, v23;
	v23 =	vld.idx.msk [tilespmem:v28+s1+$0x0], $0xffff  }
0x4c: {  	v19 =	vmax.f32 v19, v24;
	v24 =	vld.idx.msk [tilespmem:v29+s1+$0x0], $0xffff  }
0x4d: {  	s15 =	sadd.s32 $0x10, s15;
	v19 =	vmax.f32 v19, v25  }
0x4e: {  	v19 =	vmax.f32 v19, v21;
	v21 =	vor.u32 s15, v0  }
0x4f: {  	v19 =	vmax.f32 v19, v22  }
0x50: {  	v19 =	vmax.f32 v19, v20  }
0x51: {  	v19 =	vmax.f32 v19, v23  }
0x52: {  	v19 =	vmax.f32 v19, v24  }
.Ltmp1:
0x53: {  	[tilespmem:v21+s18+$0x0] =	vst.idx.msk $0xffff, v19;
	(xrf0) =	vmax.scan.msk.f32 $0xffff, v19;
	(pc) =	sbr.rel @p0 .LBB2_3-.Ltmp1, $3  }
0x54: {  	_ =	sdelay $0x1  }
0x55: {  	s3 =	sadd.s32 $0x1, s3  }
0x56: {  	v19 =	vmov s3  }
.LBB2_4:
0x57: {  	_ = 	snop  }
0x58: {  	v20, _, _ =	vpop (xrf0)  }
0x59: {  	v20 =	vbroadcast v20, $0xF;
	_ =	sdelay $0x1  }
0x5a: {  	[tilespmem:v19+s19+$0x0] =	vst.idx.msk $0x1, v20  }
0x5b: {  	v19 =	vld [tilespmem:$0x2100];
	_ =	sdelay $0x2  }
0x5c: {  	v20 =	vmov s8  }
0x5d: {  	vm0 =	vgt.u32 v20, v0  }
0x5e: {  	s3 =	sshll.u32 s12, $0x7;
	v19 =	vnsel vm0, $0xFF61B1E6, v19  }
0x5f: {  	v20 =	vmov s3;
	[tilespmem:$0x2100] =	vst v19;
	v19 =	vmov s13  }
.LBB2_5:
0x60: {  	v21 =	vld [tilespmem:$0x2100];
	_ =	sdelay $0x4  }
0x61: {  	(xrf0) =	vmax.scan.msk.f32 $0xffff, v21;
	_ =	sdelay $0x5  }
0x62: {  	v22, _, _ =	vpop (xrf0)  }
0x63: {  	v22 =	vbroadcast v22, $0xF;
	_ =	sdelay $0x1  }
0x64: {  	vm0 =	veq.f32 v21, v22  }
0x65: {  	v21 =	vmctz.xlane vm0;
	_ =	sdelay $0x1  }
0x66: {  	v23 =	vshll.u32 v21, $0x4  }
0x67: {  	v24 =	vor.u32 v0, v23;
	_ =	sdelay $0x4  }
0x68: {  	v24 =	vld.idx.msk [tilespmem:v24+s18+$0x0], $0xffff;
	_ =	sdelay $0x4  }
0x69: {  	vm12 =	veq.f32 v24, v22  }
0x6a: {  	v25 =	vmctz.xlane vm12;
	_ =	sdelay $0x1  }
0x6b: {  	v23 =	vadd.s32 v23, v25  }
0x6c: {  	v26 =	vshll.u32 v23, $0x4  }
0x6d: {  	v27 =	vor.u32 v0, v26;
	_ =	sdelay $0x4  }
0x6e: {  	v28 =	vld.idx.msk [tilespmem:v27+s1+$0x0], $0xffff;
	_ =	sdelay $0x4  }
0x6f: {  	vm13 =	veq.f32 v28, v22  }
0x70: {  	v29 =	vmctz.xlane vm13;
	_ =	sdelay $0x1  }
0x71: {  	vm0 =	veq.s32 v29, v0  }
0x72: {  	v28 =	vsel vm0, $0xFF61B1E6, v28  }
0x73: {  	(xrf0) =	vmax.scan.msk.f32 $0xffff, v28;
	_ =	sdelay $0x1  }
0x74: {  	v30 =	vmov s2  }
0x75: {  	v30 =	vand.u32 $0x7F, v30  }
0x76: {  	v30 =	vadd.s32 v20, v30  }
0x77: {  	v30 =	vbroadcast v30, $0x0  }
0x78: {  	v31, _, _ =	vpop (xrf0)  }
0x79: {  	v31 =	vbroadcast v31, $0xF  }
0x7a: {  	vm14 =	veq.s32 v25, v0  }
0x7b: {  	vm15 =	vle.f32 v22, $-1.000000020e+30;
	v24 =	vsel vm14, v31, v24  }
0x7c: {  	v63 =	vadd.s32 v29, v26;
	vm0 =	vmneg vm15;
	(xrf0) =	vmax.scan.msk.f32 $0xffff, v24  }
0x7d: {  	[tilespmem:v30+s20+$0x0] =	vst.idx.msk $0x1, v63;
	v22 =	vnsel vm0, $0xFF800000, v22  }
0x7e: {  	[tilespmem:v30+s21+$0x0] =	vst.idx.msk $0x1, v22;
	v22 =	vsub.s32 v19, v63  }
0x7f: {  	[tilespmem:v30+s22+$0x0] =	vst.idx.msk $0x1, v22;
	v22 =	vsel vm0, $0x1, v18  }
0x80: {  	p0 =	sne.s32 s2, $0x31  }
.Ltmp2:
0x81: {  	_ = 	snop;
	(pc) =	sbr.rel @p0 .LBB2_5-.Ltmp2, $4  }
0x82: {  	[tilespmem:v30+s23+$0x0] =	vst.idx.msk $0x1, v22;
	v22, _, _ =	vpop (xrf0)  }
0x83: {  	[tilespmem:v27+s1+$0x0] =	vst.idx.msk $0xffff, v28;
	v22 =	vbroadcast v22, $0xF  }
0x84: {  	[tilespmem:v23+s18+$0x0] =	vst.idx.msk $0x1, v31  }
0x85: {  	s2 =	sadd.s32 $0x1, s2;
	[tilespmem:v21+s19+$0x0] =	vst.idx.msk $0x1, v22  }
0x86: {  	p0 =	seq.s32 s29, $0x3F  }
0x87: {  	s2 =	sshll.u32 @!p0 s29, $0xF  }
0x88: {  	s3 =	sadd.s32 @!p0 s2, s10;
	s2 =	simm.s32 $0x0  }
0x89: {  	s4 =	simm.s32 @!p0 $0x80;
	s8 =	simm.s32 @!p0 $0x400;
	s12 =	simm.s32 @!p0 $0x0;
	v19 =	vor.u32 s2, v1;
	v20 =	vor.u32 s2, v3  }
0x8a: {  	[tilespmem:s12], [sflag:$0x1] =	stream.strided.gather @!p0 [hbm4b:s3+s4], $0x1000, s8, s4, $0x38;
	v19 =	vand.u32 v2, v19;
	[tilespmem:$0x3180] =	vst v63  }
0x8b: {  	v21 =	vor.u32 s2, v4;
	_ =	swait.ge [sflag:s24], $0x1000  }
0x8c: {  	v22 =	vor.u32 s2, v5;
	[sflag:s24] =	ssyncset.done $0x0  }
0x8d: {  	v23 =	vor.u32 s2, v6;
	[sflag:s24] =	ssyncadd.s32 $0xFFFFF000  }
0x8e: {  	v24 =	vor.u32 s2, v7;
	v20 =	vld.idx.msk [tilespmem:v20+s16+$0x0], $0xffff  }
0x8f: {  	v25 =	vor.u32 s2, v8;
	v19 =	vld.idx.msk [tilespmem:v19+s16+$0x0], $0xffff  }
0x90: {  	v26 =	vor.u32 s2, v9;
	v21 =	vld.idx.msk [tilespmem:v21+s16+$0x0], $0xffff  }
0x91: {  	v27 =	vor.u32 s2, v10;
	v22 =	vld.idx.msk [tilespmem:v22+s16+$0x0], $0xffff  }
0x92: {  	v28 =	vor.u32 s2, v11;
	v23 =	vld.idx.msk [tilespmem:v23+s16+$0x0], $0xffff  }
0x93: {  	v29 =	vor.u32 s2, v12;
	v24 =	vld.idx.msk [tilespmem:v24+s16+$0x0], $0xffff  }
0x94: {  	v30 =	vor.u32 s2, v13;
	v25 =	vld.idx.msk [tilespmem:v25+s16+$0x0], $0xffff;
	v19 =	vmax.f32 v19, v20  }
0x95: {  	v52 =	vor.u32 s2, v14;
	v20 =	vld.idx.msk [tilespmem:v26+s16+$0x0], $0xffff;
	v19 =	vmax.f32 v19, v21  }
0x96: {  	v54 =	vor.u32 s2, v15;
	v53 =	vld.idx.msk [tilespmem:v27+s16+$0x0], $0xffff;
	v19 =	vmax.f32 v19, v22  }
0x97: {  	v56 =	vor.u32 s2, v16;
	v55 =	vld.idx.msk [tilespmem:v28+s16+$0x0], $0xffff;
	v19 =	vmax.f32 v19, v23  }
0x98: {  	v58 =	vor.u32 s2, v17;
	v57 =	vld.idx.msk [tilespmem:v29+s16+$0x0], $0xffff;
	v19 =	vmax.f32 v19, v24  }
0x99: {  	v59 =	vld.idx.msk [tilespmem:v30+s16+$0x0], $0xffff;
	v19 =	vmax.f32 v19, v25  }
0x9a: {  	v60 =	vld.idx.msk [tilespmem:v52+s16+$0x0], $0xffff;
	v19 =	vmax.f32 v19, v20  }
0x9b: {  	v20 =	vld.idx.msk [tilespmem:v54+s16+$0x0], $0xffff;
	v19 =	vmax.f32 v19, v53  }
0x9c: {  	v61 =	vld.idx.msk [tilespmem:v56+s16+$0x0], $0xffff;
	v19 =	vmax.f32 v19, v55  }
0x9d: {  	v62 =	vld.idx.msk [tilespmem:v58+s16+$0x0], $0xffff;
	v19 =	vmax.f32 v19, v57  }
0x9e: {  	v19 =	vmax.f32 v19, v59  }
0x9f: {  	v19 =	vmax.f32 v19, v60  }
0xa0: {  	v19 =	vmax.f32 v19, v20  }
0xa1: {  	v19 =	vmax.f32 v19, v61  }
0xa2: {  	v63 =	vor.u32 s2, v0;
	p0 =	sne.s32 s31, $0x100;
	v19 =	vmax.f32 v19, v62  }
.Ltmp3:
0xa3: {  	s25 =	smax.u32 s30, $0x32;
	(xrf0) =	vmax.scan.msk.f32 $0xffff, v19;
	(pc) =	sbr.rel @!p0 .LBB2_8-.Ltmp3, $4  }
0xa4: {  	s3 =	sadd.s32 $0xF, s25  }
0xa5: {  	s3 =	sshrl.u32 s3, $0x4  }
0xa6: {  	s0 =	sand.u32 $0x7, s0;
	s13 =	simm.s32 $0x0;
	s3 =	sadd.s32 $0xF, s3  }
0xa7: {  	s12 =	simm.s32 $0x100;
	s8 =	sshrl.u32 s3, $0x4;
	s3 =	simm.s32 $0x0;
	[tilespmem:v63+s18+$0x0] =	vst.idx.msk $0xffff, v19;
	v19 =	vmov s2  }
.LBB2_7:
0xa8: {  	v20 =	vor.u32 s12, v1;
	v21 =	vor.u32 s12, v3;
	s4 =	smov.u32 s12;
	s12 =	sadd.s32 $0x100, s12  }
0xa9: {  	v20 =	vand.u32 v2, v20;
	p0 =	sne.s32 s31, s12;
	v22, _, _ =	vpop (xrf0)  }
0xaa: {  	v23 =	vor.u32 s4, v4;
	v22 =	vbroadcast v22, $0xF  }
0xab: {  	v24 =	vor.u32 s4, v5  }
0xac: {  	v25 =	vor.u32 s4, v6;
	[tilespmem:v19+s19+$0x0] =	vst.idx.msk $0x1, v22  }
0xad: {  	v19 =	vld.idx.msk [tilespmem:v21+s16+$0x0], $0xffff;
	v21 =	vor.u32 s4, v7  }
0xae: {  	v22 =	vor.u32 s4, v8;
	v20 =	vld.idx.msk [tilespmem:v20+s16+$0x0], $0xffff  }
0xaf: {  	v26 =	vor.u32 s4, v9;
	v23 =	vld.idx.msk [tilespmem:v23+s16+$0x0], $0xffff  }
0xb0: {  	v27 =	vor.u32 s4, v10;
	v24 =	vld.idx.msk [tilespmem:v24+s16+$0x0], $0xffff  }
0xb1: {  	v28 =	vor.u32 s4, v11;
	v25 =	vld.idx.msk [tilespmem:v25+s16+$0x0], $0xffff  }
0xb2: {  	v29 =	vor.u32 s4, v12;
	v21 =	vld.idx.msk [tilespmem:v21+s16+$0x0], $0xffff  }
0xb3: {  	v30 =	vor.u32 s4, v13;
	v22 =	vld.idx.msk [tilespmem:v22+s16+$0x0], $0xffff  }
0xb4: {  	v19 =	vmax.f32 v20, v19;
	v20 =	vld.idx.msk [tilespmem:v26+s16+$0x0], $0xffff;
	v26 =	vor.u32 s4, v14  }
0xb5: {  	v19 =	vmax.f32 v19, v23;
	v23 =	vld.idx.msk [tilespmem:v27+s16+$0x0], $0xffff;
	v27 =	vor.u32 s4, v15  }
0xb6: {  	v19 =	vmax.f32 v19, v24;
	v24 =	vld.idx.msk [tilespmem:v28+s16+$0x0], $0xffff;
	v28 =	vor.u32 s4, v16  }
0xb7: {  	v19 =	vmax.f32 v19, v25;
	v25 =	vld.idx.msk [tilespmem:v29+s16+$0x0], $0xffff;
	v29 =	vor.u32 s4, v17  }
0xb8: {  	v19 =	vmax.f32 v19, v21;
	v21 =	vld.idx.msk [tilespmem:v30+s16+$0x0], $0xffff  }
0xb9: {  	v19 =	vmax.f32 v19, v22;
	v22 =	vld.idx.msk [tilespmem:v26+s16+$0x0], $0xffff  }
0xba: {  	v19 =	vmax.f32 v19, v20;
	v20 =	vld.idx.msk [tilespmem:v27+s16+$0x0], $0xffff  }
0xbb: {  	v19 =	vmax.f32 v19, v23;
	v23 =	vld.idx.msk [tilespmem:v28+s16+$0x0], $0xffff  }
0xbc: {  	v19 =	vmax.f32 v19, v24;
	v24 =	vld.idx.msk [tilespmem:v29+s16+$0x0], $0xffff  }
0xbd: {  	s13 =	sadd.s32 $0x10, s13;
	v19 =	vmax.f32 v19, v25  }
0xbe: {  	v19 =	vmax.f32 v19, v21;
	v21 =	vor.u32 s13, v0  }
0xbf: {  	v19 =	vmax.f32 v19, v22  }
0xc0: {  	v19 =	vmax.f32 v19, v20  }
0xc1: {  	v19 =	vmax.f32 v19, v23  }
0xc2: {  	v19 =	vmax.f32 v19, v24  }
.Ltmp4:
0xc3: {  	[tilespmem:v21+s18+$0x0] =	vst.idx.msk $0xffff, v19;
	(xrf0) =	vmax.scan.msk.f32 $0xffff, v19;
	(pc) =	sbr.rel @p0 .LBB2_7-.Ltmp4, $3  }
0xc4: {  	_ =	sdelay $0x1  }
0xc5: {  	s3 =	sadd.s32 $0x1, s3  }
0xc6: {  	v19 =	vmov s3  }
.LBB2_8:
0xc7: {  	_ = 	snop  }
0xc8: {  	v20, _, _ =	vpop (xrf0)  }
0xc9: {  	v20 =	vbroadcast v20, $0xF;
	_ =	sdelay $0x1  }
0xca: {  	[tilespmem:v19+s19+$0x0] =	vst.idx.msk $0x1, v20  }
0xcb: {  	v19 =	vld [tilespmem:$0x2100];
	_ =	sdelay $0x2  }
0xcc: {  	v20 =	vmov s8  }
0xcd: {  	vm0 =	vgt.u32 v20, v0  }
0xce: {  	s0 =	sshll.u32 s0, $0x7;
	v19 =	vnsel vm0, $0xFF61B1E6, v19  }
0xcf: {  	v20 =	vmov s0;
	[tilespmem:$0x2100] =	vst v19;
	v19 =	vmov s30  }
.LBB2_9:
0xd0: {  	v21 =	vld [tilespmem:$0x2100];
	_ =	sdelay $0x4  }
0xd1: {  	(xrf0) =	vmax.scan.msk.f32 $0xffff, v21;
	_ =	sdelay $0x5  }
0xd2: {  	v22, _, _ =	vpop (xrf0)  }
0xd3: {  	v22 =	vbroadcast v22, $0xF;
	_ =	sdelay $0x1  }
0xd4: {  	vm0 =	veq.f32 v21, v22  }
0xd5: {  	v21 =	vmctz.xlane vm0;
	_ =	sdelay $0x1  }
0xd6: {  	v23 =	vshll.u32 v21, $0x4  }
0xd7: {  	v24 =	vor.u32 v0, v23;
	_ =	sdelay $0x4  }
0xd8: {  	v24 =	vld.idx.msk [tilespmem:v24+s18+$0x0], $0xffff;
	_ =	sdelay $0x4  }
0xd9: {  	vm12 =	veq.f32 v24, v22  }
0xda: {  	v25 =	vmctz.xlane vm12;
	_ =	sdelay $0x1  }
0xdb: {  	v23 =	vadd.s32 v23, v25  }
0xdc: {  	v26 =	vshll.u32 v23, $0x4  }
0xdd: {  	v27 =	vor.u32 v0, v26;
	_ =	sdelay $0x4  }
0xde: {  	v28 =	vld.idx.msk [tilespmem:v27+s16+$0x0], $0xffff;
	_ =	sdelay $0x4  }
0xdf: {  	vm13 =	veq.f32 v28, v22  }
0xe0: {  	v29 =	vmctz.xlane vm13;
	_ =	sdelay $0x1  }
0xe1: {  	vm0 =	veq.s32 v29, v0  }
0xe2: {  	v28 =	vsel vm0, $0xFF61B1E6, v28  }
0xe3: {  	(xrf0) =	vmax.scan.msk.f32 $0xffff, v28;
	_ =	sdelay $0x1  }
0xe4: {  	v30 =	vmov s2  }
0xe5: {  	v30 =	vand.u32 $0x7F, v30  }
0xe6: {  	v30 =	vadd.s32 v20, v30  }
0xe7: {  	v30 =	vbroadcast v30, $0x0  }
0xe8: {  	v31, _, _ =	vpop (xrf0)  }
0xe9: {  	v31 =	vbroadcast v31, $0xF  }
0xea: {  	vm14 =	veq.s32 v25, v0  }
0xeb: {  	vm15 =	vle.f32 v22, $-1.000000020e+30;
	v24 =	vsel vm14, v31, v24  }
0xec: {  	v63 =	vadd.s32 v29, v26;
	vm0 =	vmneg vm15;
	(xrf0) =	vmax.scan.msk.f32 $0xffff, v24  }
0xed: {  	[tilespmem:v30+s20+$0x0] =	vst.idx.msk $0x1, v63;
	v22 =	vnsel vm0, $0xFF800000, v22  }
0xee: {  	[tilespmem:v30+s21+$0x0] =	vst.idx.msk $0x1, v22;
	v22 =	vsub.s32 v19, v63  }
0xef: {  	[tilespmem:v30+s22+$0x0] =	vst.idx.msk $0x1, v22;
	v22 =	vsel vm0, $0x1, v18  }
0xf0: {  	p0 =	sne.s32 s2, $0x31  }
.Ltmp5:
0xf1: {  	_ = 	snop;
	(pc) =	sbr.rel @p0 .LBB2_9-.Ltmp5, $4  }
0xf2: {  	[tilespmem:v30+s23+$0x0] =	vst.idx.msk $0x1, v22;
	v22, _, _ =	vpop (xrf0)  }
0xf3: {  	[tilespmem:v27+s16+$0x0] =	vst.idx.msk $0xffff, v28;
	v22 =	vbroadcast v22, $0xF  }
0xf4: {  	[tilespmem:v23+s18+$0x0] =	vst.idx.msk $0x1, v31  }
0xf5: {  	s2 =	sadd.s32 $0x1, s2;
	[tilespmem:v21+s19+$0x0] =	vst.idx.msk $0x1, v22  }
0xf6: {  	s0 =	sand.u32 $0x3, s29  }
0xf7: {  	p0 =	sne.s32 s0, $0x3  }
0xf8: {  	s0 =	sshll.u32 @!p0 s29, $0x8  }
0xf9: {  	s0 =	sadd.s32 @!p0 s11, s0  }
0xfa: {  	s2 =	rddreg [dreg:$0x2];
	s0 =	sshrl.u32 @!p0 s0, $0x3  }
0xfb: {  	s3 =	simm.s32 @!p0 $0x0;
	s4 =	simm.s32 @!p0 $0x2180;
	s2 =	sadd.s32 @!p0 s2, s0  }
0xfc: {  	[hbm4b:s2+s3] =	stream.linear.scatter @!p0 [tilespmem:s4], [sflag:$0x4], $0x400, $0x38;
	[tilespmem:$0x3180] =	vst v63  }
0xfd: {  	s2 =	simm.s32 @!p0 $0x4  }
0xfe: {  	_ =	swait.ge @!p0 [sflag:s2], $0x400  }
0xff: {  	[sflag:s2] =	ssyncset.done @!p0 $0x0;
	s4 =	rddreg [dreg:$0x3]  }
0x100: {  	s8 =	simm.s32 @!p0 $0x2580;
	[sflag:s2] =	ssyncadd.s32 @!p0 $0xFFFFFC00;
	s4 =	sadd.s32 @!p0 s4, s0  }
0x101: {  	[hbm4b:s4+s3] =	stream.linear.scatter @!p0 [tilespmem:s8], [sflag:$0x4], $0x400, $0x38;
	[tilespmem:$0x3180] =	vst v63  }
0x102: {  	_ =	swait.ge @!p0 [sflag:s2], $0x400  }
0x103: {  	[sflag:s2] =	ssyncset.done @!p0 $0x0  }
0x104: {  	s4 =	sadd.s32 @!p0 s5, s0;
	s8 =	simm.s32 @!p0 $0x2980;
	[sflag:s2] =	ssyncadd.s32 @!p0 $0xFFFFFC00  }
0x105: {  	[hbm4b:s4+s3] =	stream.linear.scatter @!p0 [tilespmem:s8], [sflag:$0x4], $0x400, $0x38;
	[tilespmem:$0x3180] =	vst v63  }
0x106: {  	s29 =	sadd.s32 $0x1, s29;
	_ =	swait.ge @!p0 [sflag:s2], $0x400  }
0x107: {  	p1 =	sne.s32 s29, $0x40;
	[sflag:s2] =	ssyncset.done @!p0 $0x0  }
0x108: {  	s0 =	sadd.s32 @!p0 s7, s0;
	[sflag:s2] =	ssyncadd.s32 @!p0 $0xFFFFFC00;
	s2 =	simm.s32 @!p0 $0x2D80  }
0x109: {  	[hbm4b:s0+s3] =	stream.linear.scatter @!p0 [tilespmem:s2], [sflag:$0x3], $0x400, $0x38;
	[tilespmem:$0x3180] =	vst v63  }
.Ltmp6:
0x10a: {  	_ = 	snop;
	(pc) =	sbr.rel @p1 .LBB2_2-.Ltmp6, $4  }
0x10b: {  	s0 =	simm.s32 @!p0 $0x3  }
0x10c: {  	_ =	swait.ge @!p0 [sflag:s0], $0x400  }
0x10d: {  	[sflag:s0] =	ssyncset.done @!p0 $0x0  }
0x10e: {  	s28 =	sadd.s32 $0x40, s28;
	s26 =	sadd.s32 $0x40, s26;
	[sflag:s0] =	ssyncadd.s32 @!p0 $0xFFFFFC00  }
0x10f: {  	s2 =	rddreg [dreg:$0x7]  }
0x110: {  	s0 =	rddreg [dreg:$0x6];
	s2 =	sadd.s32 $0x1, s2  }
0x111: {  	p0 =	sne.s32 s2, s0  }
.Ltmp7:
0x112: {  	_ = 	snop;
	(pc) =	sbr.rel @p0 .LBB2_1-.Ltmp7, $1  }
0x113: {  	_ =	sdelay $0x3  }
0x114: {  	_ =	sfence.sel $0x180000  }
0x115: {  	[bflag:$0x0] =	sbarrier.arrive $0xFFFF  }
0x116: {  	_ =	strace $0x90000047  }
0x117: {  	s0 =	stileid.u32;
	[bflag:$0x2] =	sbarrier.arrive $0xFFFF  }
0x118: {  	p0 =	sne.s32 s0, $0x0;
	s0 =	rddreg [dreg:$0x1]  }
0x119: {  	s0 =	sadd.s32 @!p0 $0x100000, s0  }
0x11a: {  	[sflag:s0] =	ssyncadd.tile.s32 @!p0 $0x1;
	_ =	shalt  }
.Lfunc_end2:
_tile_overlayer_lowered:
.L_overlay_start_2:
0x11b: {  	(tag) =	ssettag $0x2  }
0x11c: {  	s0 =	rddreg [dreg:$0x0];
	s2 =	stileid.u32  }
0x11d: {  	s1 =	rddreg [dreg:$0x1];
	p0 =	sne.s32 s2, $0x0  }
0x11e: {  	s3 =	rddreg [dreg:$0x2];
	[bflag:$0x3] =	sbarrier.arrive $0xFFFF;
	s2 =	simm.s32 @!p0 $0x1C03  }
0x11f: {  	[timem:s3], [sflag:s2] =	dma.local @!p0 [hbm:s0], s1  }
0x120: {  	s0 =	simm.s32 @!p0 $0x3  }
0x121: {  	_ =	swait.ge @!p0 [sflag:s0], s1  }
0x122: {  	s1 =	ssub.s32 @!p0 $0x0, s1;
	[sflag:s0] =	ssyncset.done @!p0 $0x0  }
0x123: {  	[sflag:s0] =	ssyncadd.s32 @!p0 s1  }
0x124: {  	[bflag:$0x3] =	sbarrier.arrive $0xFFFF  }
0x125: {  	_ =	shalt  }

</sc_bundles>
